<compile_context>
chip_gen: v7x
topology: tpu7x:2x2x1
jax: 0.10.2.dev20260603
libtpu: 0.0.44.dev20260713+nightly
codegen_flags: <defaults>
</compile_context>

<pallas_src>
import functools

import jax
import jax.numpy as jnp
from jax import lax
from jax.experimental import pallas as pl
from jax.experimental.pallas import tpu as pltpu
from jax.experimental.pallas import tpu_sc as plsc

_B, _N, _D = 1024, 128, 128
_NW = 32
_L = 16
_NC = _D // _L

_SC_ROWS = 448
_BB = 64
_TC_OFF = _SC_ROWS // _BB


def _sc_partials(pred, target):
    mesh = plsc.VectorSubcoreMesh(core_axis_name="c", subcore_axis_name="s")

    @functools.partial(
        pl.kernel,
        out_type=jax.ShapeDtypeStruct((_NW, _L), jnp.float32),
        mesh=mesh,
        scratch_types=[
            pltpu.VMEM((_L,), jnp.float32),
        ],
    )
    def k(p_hbm, t_hbm, out_hbm, acc_v):
        acc_v[...] = jnp.zeros((_L,), jnp.float32)

        def body(p_v, t_v):
            def drow(i):
                return tuple(
                    p_v[0, i, pl.ds(c, _L)] - t_v[0, i, pl.ds(c, _L)]
                    for c in range(0, _D, _L)
                )

            d0 = drow(0)
            d1 = drow(1)

            def step(i, carry):
                d_pp, d_p, accs = carry
                d_c = drow(i)
                accs = tuple(
                    a + jnp.abs((d_p[j] + d_p[j]) - (d_pp[j] + d_c[j]))
                    for j, a in enumerate(accs)
                )
                return (d_p, d_c, accs)

            zeros = tuple(jnp.zeros((_L,), jnp.float32) for _ in range(_NC))
            d_pp, d_p, accs = lax.fori_loop(2, _N, step, (d0, d1, zeros),
                                            unroll=3)

            accs = tuple(
                a
                + jnp.abs((d_p[j] + d_p[j]) - (d_pp[j] + d0[j]))
                + jnp.abs((d0[j] + d0[j]) - (d_p[j] + d1[j]))
                for j, a in enumerate(accs)
            )
            total = accs[0]
            for j in range(1, _NC):
                total = total + accs[j]
            acc_v[...] = acc_v[...] + total

        pltpu.emit_pipeline(
            body,
            grid=(_SC_ROWS,),
            in_specs=[
                pl.BlockSpec((1, _N, _D), lambda i: (i, 0, 0)),
                pl.BlockSpec((1, _N, _D), lambda i: (i, 0, 0)),
            ],
            core_axis_name=("c", "s"),
            dimension_semantics=(pltpu.PARALLEL,),
        )(p_hbm, t_hbm)

        wid = lax.axis_index("s") * 2 + lax.axis_index("c")
        pltpu.sync_copy(acc_v, out_hbm.at[wid])

    return k(pred, target)


def _tc_lap_l1_kernel(p_ref, t_ref, out_ref):
    i = pl.program_id(0)
    d = p_ref[...] - t_ref[...]
    up = jnp.roll(d, 1, axis=1)
    dn = jnp.roll(d, -1, axis=1)
    lap = d - 0.5 * (up + dn)
    part = jnp.sum(jnp.abs(lap)).reshape(1, 1)

    @pl.when(i == 0)
    def _():
        out_ref[...] = jnp.zeros_like(out_ref)

    out_ref[...] += part


def _tc_partial(pred, target):
    return pl.pallas_call(
        _tc_lap_l1_kernel,
        grid=((_B - _SC_ROWS) // _BB,),
        in_specs=[
            pl.BlockSpec((_BB, _N, _D), lambda i: (i + _TC_OFF, 0, 0)),
            pl.BlockSpec((_BB, _N, _D), lambda i: (i + _TC_OFF, 0, 0)),
        ],
        out_specs=pl.BlockSpec((1, 1), lambda i: (0, 0)),
        out_shape=jax.ShapeDtypeStruct((1, 1), jnp.float32),
    )(pred, target)


def kernel(pred, target):
    sc_parts = _sc_partials(pred, target)
    tc_part = _tc_partial(pred, target)
    total = 0.5 * jnp.sum(sc_parts) + tc_part[0, 0]
    return total / (_B * _N * _D)

# --- scband reference (transcript-rebuilt; emitter-appended) ---
"""Pipeline reference for scband-laplacian-loss-7997229105177 (READ-ONLY COPY).

The authoritative reference and input builder live on the scoring server;
editing this copy changes nothing except your own understanding.
"""

import jax, jax.numpy as jnp
import numpy as np

N = 128
# Ring-graph adjacency matching the adj_list passed to __init__: node i has neighbors [(i-1)%N, (i+1)%N]
_nbr = jnp.stack([(jnp.arange(N) - 1) % N, (jnp.arange(N) + 1) % N], axis=1)  # [N, 2]


def _laplacian(x):
    # x: [B, N, D]; every node has exactly 2 neighbors, so the per-node mean
    # over neighbors is a gather followed by a mean along the neighbor axis.
    neigh = jnp.take(x, _nbr, axis=1)  # [B, N, 2, D]
    return x - jnp.mean(neigh, axis=2)


def setup_inputs(seed: int = 0) -> dict:
    key = jax.random.key(seed)
    k1, k2 = jax.random.split(key)
    pred = jax.random.normal(k1, (1024, N, 128), dtype=jnp.float32)
    target = jax.random.normal(k2, (1024, N, 128), dtype=jnp.float32)
    return {"pred": pred, "target": target}


def reference(pred, target):
    Lp = _laplacian(pred)
    Lt = _laplacian(target)
    # nn.L1Loss with default reduction='mean'
    return jnp.mean(jnp.abs(Lp - Lt))

if __name__ == "__main__":
    import jax
    _d = setup_inputs()
    print(jax.jit(kernel)(*tuple(_d.values())))

</pallas_src>

<mosaic_0001>
#map = affine_map<(d0, d1) -> (0, 0, 0)>
#map1 = affine_map<(d0, d1) -> (0, 0)>
module attributes {stable_mosaic.version = 14 : i64} {
  func.func @k(%arg0: i32, %arg1: i32, %arg2: memref<1024x128x128xf32, #tpu.memory_space<hbm>>, %arg3: memref<1024x128x128xf32, #tpu.memory_space<hbm>>, %arg4: memref<32x16xf32, #tpu.memory_space<hbm>>, %arg5: memref<16xf32, #tpu.memory_space<vmem>>) attributes {dimension_semantics = [#tpu.dimension_semantics<core_parallel>, #tpu.dimension_semantics<subcore_parallel>], iteration_bounds = array<i64: 2, 16>, scalar_prefetch = 0 : i64, scratch_operands = 1 : i64, tpu.core_type = #tpu.core_type<sc_vector_subcore>, window_params = [{transform_indices = #map}, {transform_indices = #map}, {transform_indices = #map1}]} {
    %broadcast_in_dim3A = arith.constant 0.000000e+00 : f32
    %broadcast_in_dim3A_0 = vector.broadcast %broadcast_in_dim3A : f32 to vector<16xf32>
    %swap3A = arith.constant 0 : index
    %swap3A_1 = tpu.vector_load %arg5[%swap3A] {strides = array<i32>} : memref<16xf32, #tpu.memory_space<vmem>>, vector<16xf32>,
    %swap3A_2 = vector.shape_cast %swap3A_1 : vector<16xf32> to vector<16xf32>
    %swap3A_3 = vector.shape_cast %broadcast_in_dim3A_0 : vector<16xf32> to vector<16xf32>
    tpu.vector_store %arg5[%swap3A], %swap3A_3 {strides = array<i32>} : memref<16xf32, #tpu.memory_space<vmem>>, vector<16xf32>,
    %mul3A = arith.constant 1 : i32
    %mul3A_4 = arith.muli %arg1, %mul3A : i32
    %add3A = arith.constant 0 : i32
    %add3A_5 = arith.addi %add3A, %mul3A_4 : i32
    %mul3A_6 = arith.constant 16 : i32
    %mul3A_7 = arith.muli %arg0, %mul3A_6 : i32
    %add3A_8 = arith.addi %add3A_5, %mul3A_7 : i32
    %mul3A_9 = arith.constant 14 : i32
    %mul3A_10 = arith.muli %add3A_8, %mul3A_9 : i32
    "tpu.region"() ({
      %run_scoped3A = memref.alloca() : memref<2x1x128x128xf32, #tpu.memory_space<vmem>>
      %run_scoped3A_14 = tpu.sem_alloc : memref<2x!tpu.dma_semaphore, #tpu.memory_space<semaphore_mem>>
      %run_scoped3A_15 = memref.alloca() : memref<2x1x128x128xf32, #tpu.memory_space<vmem>>
      %run_scoped3A_16 = tpu.sem_alloc : memref<2x!tpu.dma_semaphore, #tpu.memory_space<semaphore_mem>>
      %add3A_17 = arith.constant 0 : i32
      %add3A_18 = arith.addi %add3A_17, %mul3A_10 : i32
      %select_n3A = arith.constant true
      %select_n3A_19 = arith.constant 0 : i32
      %select_n3A_20 = arith.constant -1 : i32
      %select_n3A_21 = arith.select %select_n3A, %select_n3A_20, %select_n3A_19 : i32
      %eq3A = arith.constant -1 : i32
      %eq3A_22 = arith.cmpi eq, %select_n3A_21, %eq3A : i32
      %select_n3A_23 = arith.constant 13 : i32
      %select_n3A_24 = arith.select %eq3A_22, %select_n3A_23, %select_n3A_21 : i32
      %add3A_25 = arith.addi %select_n3A_24, %mul3A_10 : i32
      %select_n3A_26 = arith.constant true
      %select_n3A_27 = arith.constant 0 : i32
      %select_n3A_28 = arith.constant 1 : i32
      %select_n3A_29 = arith.select %select_n3A_26, %select_n3A_28, %select_n3A_27 : i32
      %eq3A_30 = arith.constant 14 : i32
      %eq3A_31 = arith.cmpi eq, %select_n3A_29, %eq3A_30 : i32
      %select_n3A_32 = arith.constant 0 : i32
      %select_n3A_33 = arith.select %eq3A_31, %select_n3A_32, %select_n3A_29 : i32
      %add3A_34 = arith.addi %select_n3A_33, %mul3A_10 : i32
      %add3A_35 = arith.constant 1 : i32
      %add3A_36 = arith.addi %select_n3A_33, %add3A_35 : i32
      %select_n3A_37 = arith.constant true
      %select_n3A_38 = arith.select %select_n3A_37, %add3A_36, %select_n3A_33 : i32
      %eq3A_39 = arith.constant 14 : i32
      %eq3A_40 = arith.cmpi eq, %select_n3A_38, %eq3A_39 : i32
      %select_n3A_41 = arith.constant 0 : i32
      %select_n3A_42 = arith.select %eq3A_40, %select_n3A_41, %select_n3A_38 : i32
      %add3A_43 = arith.addi %select_n3A_42, %mul3A_10 : i32
      "tpu.trace_start"() <{level = 10 : i32, message = "ep_initialize_0"}> : () -> ()
      %rem3A = arith.constant 0 : i32
      %rem3A_44 = arith.constant 2 : i32
      %rem3A_45 = arith.remui %rem3A, %rem3A_44 : i32
      %mul3A_46 = arith.constant 1 : i32
      %mul3A_47 = arith.muli %mul3A_46, %add3A_18 : i32
      %dma_start3A = arith.constant 0 : i32
      %dma_start3A_48 = arith.constant 0 : i32
      %dma_start3A_49 = arith.constant 0 : i32
      %dma_start3A_50 = tpu.memref_slice %run_scoped3A[%rem3A_45, %dma_start3A, %dma_start3A_48, %dma_start3A_49] : memref<2x1x128x128xf32, #tpu.memory_space<vmem>> -> memref<1x1x128x128xf32, #tpu.memory_space<vmem>>
      %dma_start3A_51 = tpu.memref_squeeze %dma_start3A_50 : memref<1x1x128x128xf32, #tpu.memory_space<vmem>> -> memref<1x128x128xf32, #tpu.memory_space<vmem>>
      %dma_start3A_52 = arith.constant 0 : i32
      %dma_start3A_53 = arith.constant 0 : i32
      %dma_start3A_54 = tpu.memref_slice %arg2[%mul3A_47, %dma_start3A_52, %dma_start3A_53] : memref<1024x128x128xf32, #tpu.memory_space<hbm>> -> memref<1x128x128xf32, #tpu.memory_space<hbm>>
      %dma_start3A_55 = tpu.memref_slice %run_scoped3A_14[%rem3A_45] : memref<2x!tpu.dma_semaphore, #tpu.memory_space<semaphore_mem>> -> memref<1x!tpu.dma_semaphore, #tpu.memory_space<semaphore_mem>>
      %dma_start3A_56 = tpu.memref_squeeze %dma_start3A_55 : memref<1x!tpu.dma_semaphore, #tpu.memory_space<semaphore_mem>> -> memref<!tpu.dma_semaphore, #tpu.memory_space<semaphore_mem>>
      %dma_start3A_57 = arith.constant 0 : i32
      %dma_start3A_58 = arith.constant 0 : i32
      %dma_start3A_59 = arith.constant 0 : i32
      %dma_start3A_60 = tpu.memref_slice %run_scoped3A[%rem3A_45, %dma_start3A_57, %dma_start3A_58, %dma_start3A_59] : memref<2x1x128x128xf32, #tpu.memory_space<vmem>> -> memref<1x1x128x128xf32, #tpu.memory_space<vmem>>
      %dma_start3A_61 = tpu.memref_squeeze %dma_start3A_60 : memref<1x1x128x128xf32, #tpu.memory_space<vmem>> -> memref<1x128x128xf32, #tpu.memory_space<vmem>>
      %dma_start3A_62 = arith.constant 0 : i32
      %dma_start3A_63 = arith.constant 0 : i32
      %dma_start3A_64 = tpu.memref_slice %arg2[%mul3A_47, %dma_start3A_62, %dma_start3A_63] : memref<1024x128x128xf32, #tpu.memory_space<hbm>> -> memref<1x128x128xf32, #tpu.memory_space<hbm>>
      tpu.enqueue_dma source(%dma_start3A_64 : memref<1x128x128xf32, #tpu.memory_space<hbm>>) target(%dma_start3A_61 : memref<1x128x128xf32, #tpu.memory_space<vmem>>) target_semaphore(%dma_start3A_56 : memref<!tpu.dma_semaphore, #tpu.memory_space<semaphore_mem>>)
      %add3A_65 = arith.constant 0 : i32
      %add3A_66 = arith.constant 1 : i32
      %add3A_67 = arith.addi %add3A_65, %add3A_66 : i32
      %select_n3A_68 = arith.constant true
      %select_n3A_69 = arith.constant 0 : i32
      %select_n3A_70 = arith.select %select_n3A_68, %add3A_67, %select_n3A_69 : i32
      %rem3A_71 = arith.constant 0 : i32
      %rem3A_72 = arith.constant 2 : i32
      %rem3A_73 = arith.remui %rem3A_71, %rem3A_72 : i32
      %mul3A_74 = arith.constant 1 : i32
      %mul3A_75 = arith.muli %mul3A_74, %add3A_18 : i32
      %dma_start3A_76 = arith.constant 0 : i32
      %dma_start3A_77 = arith.constant 0 : i32
      %dma_start3A_78 = arith.constant 0 : i32
      %dma_start3A_79 = tpu.memref_slice %run_scoped3A_15[%rem3A_73, %dma_start3A_76, %dma_start3A_77, %dma_start3A_78] : memref<2x1x128x128xf32, #tpu.memory_space<vmem>> -> memref<1x1x128x128xf32, #tpu.memory_space<vmem>>
      %dma_start3A_80 = tpu.memref_squeeze %dma_start3A_79 : memref<1x1x128x128xf32, #tpu.memory_space<vmem>> -> memref<1x128x128xf32, #tpu.memory_space<vmem>>
      %dma_start3A_81 = arith.constant 0 : i32
      %dma_start3A_82 = arith.constant 0 : i32
      %dma_start3A_83 = tpu.memref_slice %arg3[%mul3A_75, %dma_start3A_81, %dma_start3A_82] : memref<1024x128x128xf32, #tpu.memory_space<hbm>> -> memref<1x128x128xf32, #tpu.memory_space<hbm>>
      %dma_start3A_84 = tpu.memref_slice %run_scoped3A_16[%rem3A_73] : memref<2x!tpu.dma_semaphore, #tpu.memory_space<semaphore_mem>> -> memref<1x!tpu.dma_semaphore, #tpu.memory_space<semaphore_mem>>
      %dma_start3A_85 = tpu.memref_squeeze %dma_start3A_84 : memref<1x!tpu.dma_semaphore, #tpu.memory_space<semaphore_mem>> -> memref<!tpu.dma_semaphore, #tpu.memory_space<semaphore_mem>>
      %dma_start3A_86 = arith.constant 0 : i32
      %dma_start3A_87 = arith.constant 0 : i32
      %dma_start3A_88 = arith.constant 0 : i32
      %dma_start3A_89 = tpu.memref_slice %run_scoped3A_15[%rem3A_73, %dma_start3A_86, %dma_start3A_87, %dma_start3A_88] : memref<2x1x128x128xf32, #tpu.memory_space<vmem>> -> memref<1x1x128x128xf32, #tpu.memory_space<vmem>>
      %dma_start3A_90 = tpu.memref_squeeze %dma_start3A_89 : memref<1x1x128x128xf32, #tpu.memory_space<vmem>> -> memref<1x128x128xf32, #tpu.memory_space<vmem>>
      %dma_start3A_91 = arith.constant 0 : i32
      %dma_start3A_92 = arith.constant 0 : i32
      %dma_start3A_93 = tpu.memref_slice %arg3[%mul3A_75, %dma_start3A_91, %dma_start3A_92] : memref<1024x128x128xf32, #tpu.memory_space<hbm>> -> memref<1x128x128xf32, #tpu.memory_space<hbm>>
      tpu.enqueue_dma source(%dma_start3A_93 : memref<1x128x128xf32, #tpu.memory_space<hbm>>) target(%dma_start3A_90 : memref<1x128x128xf32, #tpu.memory_space<vmem>>) target_semaphore(%dma_start3A_85 : memref<!tpu.dma_semaphore, #tpu.memory_space<semaphore_mem>>)
      %add3A_94 = arith.constant 0 : i32
      %add3A_95 = arith.constant 1 : i32
      %add3A_96 = arith.addi %add3A_94, %add3A_95 : i32
      %select_n3A_97 = arith.constant true
      %select_n3A_98 = arith.constant 0 : i32
      %select_n3A_99 = arith.select %select_n3A_97, %add3A_96, %select_n3A_98 : i32
      "tpu.trace_stop"() : () -> ()
      %scan3A = arith.constant 0 : i32
      %scan3A_100 = arith.constant 0 : i32
      %scan3A_101 = arith.constant 0 : i32
      %scan3A_102 = arith.constant 0 : i32
      %scan3A_103 = arith.constant 14 : i32
      %scan3A_104 = arith.addi %scan3A_102, %scan3A_103 : i32
      %scan3A_105 = arith.constant 1 : i32
      %scan3A_106:5 = scf.for %scan3A_143 = %scan3A_102 to %scan3A_104 step %scan3A_105 iter_args(%scan3A_144 = %select_n3A_70, %scan3A_145 = %scan3A, %scan3A_146 = %select_n3A_99, %scan3A_147 = %scan3A_100, %scan3A_148 = %scan3A_101) -> (i32, i32, i32, i32, i32)  : i32 {
        %eq3A_149 = arith.constant 0 : i32
        %eq3A_150 = arith.cmpi eq, %scan3A_143, %eq3A_149 : i32
        %eq3A_151 = arith.constant 13 : i32
        %eq3A_152 = arith.cmpi eq, %scan3A_143, %eq3A_151 : i32
        %add3A_153 = arith.addi %scan3A_148, %mul3A_10 : i32
        %sub3A_154 = arith.constant 1 : i32
        %sub3A_155 = arith.subi %scan3A_148, %sub3A_154 : i32
        %select_n3A_156 = arith.constant true
        %select_n3A_157 = arith.select %select_n3A_156, %sub3A_155, %scan3A_148 : i32
        %eq3A_158 = arith.constant -1 : i32
        %eq3A_159 = arith.cmpi eq, %select_n3A_157, %eq3A_158 : i32
        %select_n3A_160 = arith.constant 13 : i32
        %select_n3A_161 = arith.select %eq3A_159, %select_n3A_160, %select_n3A_157 : i32
        %add3A_162 = arith.addi %select_n3A_161, %mul3A_10 : i32
        %add3A_163 = arith.constant 1 : i32
        %add3A_164 = arith.addi %scan3A_148, %add3A_163 : i32
        %select_n3A_165 = arith.constant true
        %select_n3A_166 = arith.select %select_n3A_165, %add3A_164, %scan3A_148 : i32
        %eq3A_167 = arith.constant 14 : i32
        %eq3A_168 = arith.cmpi eq, %select_n3A_166, %eq3A_167 : i32
        %select_n3A_169 = arith.constant 0 : i32
        %select_n3A_170 = arith.select %eq3A_168, %select_n3A_169, %select_n3A_166 : i32
        %add3A_171 = arith.addi %select_n3A_170, %mul3A_10 : i32
        %add3A_172 = arith.constant 1 : i32
        %add3A_173 = arith.addi %select_n3A_170, %add3A_172 : i32
        %select_n3A_174 = arith.constant true
        %select_n3A_175 = arith.select %select_n3A_174, %add3A_173, %select_n3A_170 : i32
        %eq3A_176 = arith.constant 14 : i32
        %eq3A_177 = arith.cmpi eq, %select_n3A_175, %eq3A_176 : i32
        %select_n3A_178 = arith.constant 0 : i32
        %select_n3A_179 = arith.select %eq3A_177, %select_n3A_178, %select_n3A_175 : i32
        %add3A_180 = arith.addi %select_n3A_179, %mul3A_10 : i32
        %ne3A = arith.cmpi ne, %add3A_153, %add3A_171 : i32
        %or3A = arith.constant false
        %or3A_181 = arith.ori %or3A, %ne3A : i1
        %or3A_182 = arith.constant false
        %or3A_183 = arith.ori %or3A_181, %or3A_182 : i1
        %or3A_184 = arith.constant false
        %or3A_185 = arith.ori %or3A_183, %or3A_184 : i1
        %ge3A = arith.constant 13 : i32
        %ge3A_186 = arith.cmpi sge, %scan3A_143, %ge3A : i32
        %not3A = arith.constant true
        %not3A_187 = arith.xori %ge3A_186, %not3A : i1
        %and3A = arith.andi %or3A_185, %not3A_187 : i1
        %convert_element_type3A = arith.extui %and3A : i1 to i32
        %cond3A = arith.constant 0 : i32
        %cond3A_188 = arith.cmpi ne, %convert_element_type3A, %cond3A : i32
        scf.if %cond3A_188 {
          "tpu.trace_start"() <{level = 10 : i32, message = "ep_copy_in"}> : () -> ()
          %rem3A_841 = arith.constant 2 : i32
          %rem3A_842 = arith.remui %scan3A_144, %rem3A_841 : i32
          %mul3A_843 = arith.constant 1 : i32
          %mul3A_844 = arith.muli %mul3A_843, %add3A_171 : i32
          %dma_start3A_845 = arith.constant 0 : i32
          %dma_start3A_846 = arith.constant 0 : i32
          %dma_start3A_847 = arith.constant 0 : i32
          %dma_start3A_848 = tpu.memref_slice %run_scoped3A[%rem3A_842, %dma_start3A_845, %dma_start3A_846, %dma_start3A_847] : memref<2x1x128x128xf32, #tpu.memory_space<vmem>> -> memref<1x1x128x128xf32, #tpu.memory_space<vmem>>
          %dma_start3A_849 = tpu.memref_squeeze %dma_start3A_848 : memref<1x1x128x128xf32, #tpu.memory_space<vmem>> -> memref<1x128x128xf32, #tpu.memory_space<vmem>>
          %dma_start3A_850 = arith.constant 0 : i32
          %dma_start3A_851 = arith.constant 0 : i32
          %dma_start3A_852 = tpu.memref_slice %arg2[%mul3A_844, %dma_start3A_850, %dma_start3A_851] : memref<1024x128x128xf32, #tpu.memory_space<hbm>> -> memref<1x128x128xf32, #tpu.memory_space<hbm>>
          %dma_start3A_853 = tpu.memref_slice %run_scoped3A_14[%rem3A_842] : memref<2x!tpu.dma_semaphore, #tpu.memory_space<semaphore_mem>> -> memref<1x!tpu.dma_semaphore, #tpu.memory_space<semaphore_mem>>
          %dma_start3A_854 = tpu.memref_squeeze %dma_start3A_853 : memref<1x!tpu.dma_semaphore, #tpu.memory_space<semaphore_mem>> -> memref<!tpu.dma_semaphore, #tpu.memory_space<semaphore_mem>>
          %dma_start3A_855 = arith.constant 0 : i32
          %dma_start3A_856 = arith.constant 0 : i32
          %dma_start3A_857 = arith.constant 0 : i32
          %dma_start3A_858 = tpu.memref_slice %run_scoped3A[%rem3A_842, %dma_start3A_855, %dma_start3A_856, %dma_start3A_857] : memref<2x1x128x128xf32, #tpu.memory_space<vmem>> -> memref<1x1x128x128xf32, #tpu.memory_space<vmem>>
          %dma_start3A_859 = tpu.memref_squeeze %dma_start3A_858 : memref<1x1x128x128xf32, #tpu.memory_space<vmem>> -> memref<1x128x128xf32, #tpu.memory_space<vmem>>
          %dma_start3A_860 = arith.constant 0 : i32
          %dma_start3A_861 = arith.constant 0 : i32
          %dma_start3A_862 = tpu.memref_slice %arg2[%mul3A_844, %dma_start3A_860, %dma_start3A_861] : memref<1024x128x128xf32, #tpu.memory_space<hbm>> -> memref<1x128x128xf32, #tpu.memory_space<hbm>>
          tpu.enqueue_dma source(%dma_start3A_862 : memref<1x128x128xf32, #tpu.memory_space<hbm>>) target(%dma_start3A_859 : memref<1x128x128xf32, #tpu.memory_space<vmem>>) target_semaphore(%dma_start3A_854 : memref<!tpu.dma_semaphore, #tpu.memory_space<semaphore_mem>>)
          "tpu.trace_stop"() : () -> ()
        } else {
        }
        %and3A_189 = arith.constant true
        %and3A_190 = arith.andi %and3A, %and3A_189 : i1
        %add3A_191 = arith.constant 1 : i32
        %add3A_192 = arith.addi %scan3A_144, %add3A_191 : i32
        %select_n3A_193 = arith.select %and3A_190, %add3A_192, %scan3A_144 : i32
        %ne3A_194 = arith.cmpi ne, %add3A_153, %add3A_171 : i32
        %or3A_195 = arith.constant false
        %or3A_196 = arith.ori %or3A_195, %ne3A_194 : i1
        %or3A_197 = arith.constant false
        %or3A_198 = arith.ori %or3A_196, %or3A_197 : i1
        %or3A_199 = arith.constant false
        %or3A_200 = arith.ori %or3A_198, %or3A_199 : i1
        %ge3A_201 = arith.constant 13 : i32
        %ge3A_202 = arith.cmpi sge, %scan3A_143, %ge3A_201 : i32
        %not3A_203 = arith.constant true
        %not3A_204 = arith.xori %ge3A_202, %not3A_203 : i1
        %and3A_205 = arith.andi %or3A_200, %not3A_204 : i1
        %convert_element_type3A_206 = arith.extui %and3A_205 : i1 to i32
        %cond3A_207 = arith.constant 0 : i32
        %cond3A_208 = arith.cmpi ne, %convert_element_type3A_206, %cond3A_207 : i32
        scf.if %cond3A_208 {
          "tpu.trace_start"() <{level = 10 : i32, message = "ep_copy_in"}> : () -> ()
          %rem3A_841 = arith.constant 2 : i32
          %rem3A_842 = arith.remui %scan3A_146, %rem3A_841 : i32
          %mul3A_843 = arith.constant 1 : i32
          %mul3A_844 = arith.muli %mul3A_843, %add3A_171 : i32
          %dma_start3A_845 = arith.constant 0 : i32
          %dma_start3A_846 = arith.constant 0 : i32
          %dma_start3A_847 = arith.constant 0 : i32
          %dma_start3A_848 = tpu.memref_slice %run_scoped3A_15[%rem3A_842, %dma_start3A_845, %dma_start3A_846, %dma_start3A_847] : memref<2x1x128x128xf32, #tpu.memory_space<vmem>> -> memref<1x1x128x128xf32, #tpu.memory_space<vmem>>
          %dma_start3A_849 = tpu.memref_squeeze %dma_start3A_848 : memref<1x1x128x128xf32, #tpu.memory_space<vmem>> -> memref<1x128x128xf32, #tpu.memory_space<vmem>>
          %dma_start3A_850 = arith.constant 0 : i32
          %dma_start3A_851 = arith.constant 0 : i32
          %dma_start3A_852 = tpu.memref_slice %arg3[%mul3A_844, %dma_start3A_850, %dma_start3A_851] : memref<1024x128x128xf32, #tpu.memory_space<hbm>> -> memref<1x128x128xf32, #tpu.memory_space<hbm>>
          %dma_start3A_853 = tpu.memref_slice %run_scoped3A_16[%rem3A_842] : memref<2x!tpu.dma_semaphore, #tpu.memory_space<semaphore_mem>> -> memref<1x!tpu.dma_semaphore, #tpu.memory_space<semaphore_mem>>
          %dma_start3A_854 = tpu.memref_squeeze %dma_start3A_853 : memref<1x!tpu.dma_semaphore, #tpu.memory_space<semaphore_mem>> -> memref<!tpu.dma_semaphore, #tpu.memory_space<semaphore_mem>>
          %dma_start3A_855 = arith.constant 0 : i32
          %dma_start3A_856 = arith.constant 0 : i32
          %dma_start3A_857 = arith.constant 0 : i32
          %dma_start3A_858 = tpu.memref_slice %run_scoped3A_15[%rem3A_842, %dma_start3A_855, %dma_start3A_856, %dma_start3A_857] : memref<2x1x128x128xf32, #tpu.memory_space<vmem>> -> memref<1x1x128x128xf32, #tpu.memory_space<vmem>>
          %dma_start3A_859 = tpu.memref_squeeze %dma_start3A_858 : memref<1x1x128x128xf32, #tpu.memory_space<vmem>> -> memref<1x128x128xf32, #tpu.memory_space<vmem>>
          %dma_start3A_860 = arith.constant 0 : i32
          %dma_start3A_861 = arith.constant 0 : i32
          %dma_start3A_862 = tpu.memref_slice %arg3[%mul3A_844, %dma_start3A_860, %dma_start3A_861] : memref<1024x128x128xf32, #tpu.memory_space<hbm>> -> memref<1x128x128xf32, #tpu.memory_space<hbm>>
          tpu.enqueue_dma source(%dma_start3A_862 : memref<1x128x128xf32, #tpu.memory_space<hbm>>) target(%dma_start3A_859 : memref<1x128x128xf32, #tpu.memory_space<vmem>>) target_semaphore(%dma_start3A_854 : memref<!tpu.dma_semaphore, #tpu.memory_space<semaphore_mem>>)
          "tpu.trace_stop"() : () -> ()
        } else {
        }
        %and3A_209 = arith.constant true
        %and3A_210 = arith.andi %and3A_205, %and3A_209 : i1
        %add3A_211 = arith.constant 1 : i32
        %add3A_212 = arith.addi %scan3A_146, %add3A_211 : i32
        %select_n3A_213 = arith.select %and3A_210, %add3A_212, %scan3A_146 : i32
        %ne3A_214 = arith.cmpi ne, %add3A_153, %add3A_162 : i32
        %or3A_215 = arith.constant false
        %or3A_216 = arith.ori %or3A_215, %ne3A_214 : i1
        %or3A_217 = arith.constant false
        %or3A_218 = arith.ori %or3A_216, %or3A_217 : i1
        %or3A_219 = arith.constant false
        %or3A_220 = arith.ori %or3A_218, %or3A_219 : i1
        %or3A_221 = arith.ori %or3A_220, %eq3A_150 : i1
        %convert_element_type3A_222 = arith.extui %or3A_221 : i1 to i32
        %cond3A_223 = arith.constant 0 : i32
        %cond3A_224 = arith.cmpi ne, %convert_element_type3A_222, %cond3A_223 : i32
        scf.if %cond3A_224 {
          "tpu.trace_start"() <{level = 10 : i32, message = "ep_wait_in"}> : () -> ()
          %mul3A_841 = arith.constant 1 : i32
          %mul3A_842 = arith.muli %mul3A_841, %add3A_153 : i32
          %rem3A_843 = arith.constant 2 : i32
          %rem3A_844 = arith.remui %scan3A_145, %rem3A_843 : i32
          %dma_wait3A = arith.constant 0 : i32
          %dma_wait3A_845 = arith.constant 0 : i32
          %dma_wait3A_846 = arith.constant 0 : i32
          %dma_wait3A_847 = tpu.memref_slice %run_scoped3A[%rem3A_844, %dma_wait3A, %dma_wait3A_845, %dma_wait3A_846] : memref<2x1x128x128xf32, #tpu.memory_space<vmem>> -> memref<1x1x128x128xf32, #tpu.memory_space<vmem>>
          %dma_wait3A_848 = tpu.memref_squeeze %dma_wait3A_847 : memref<1x1x128x128xf32, #tpu.memory_space<vmem>> -> memref<1x128x128xf32, #tpu.memory_space<vmem>>
          %dma_wait3A_849 = arith.constant 0 : i32
          %dma_wait3A_850 = arith.constant 0 : i32
          %dma_wait3A_851 = tpu.memref_slice %arg2[%mul3A_842, %dma_wait3A_849, %dma_wait3A_850] : memref<1024x128x128xf32, #tpu.memory_space<hbm>> -> memref<1x128x128xf32, #tpu.memory_space<hbm>>
          %dma_wait3A_852 = tpu.memref_slice %run_scoped3A_14[%rem3A_844] : memref<2x!tpu.dma_semaphore, #tpu.memory_space<semaphore_mem>> -> memref<1x!tpu.dma_semaphore, #tpu.memory_space<semaphore_mem>>
          %dma_wait3A_853 = tpu.memref_squeeze %dma_wait3A_852 : memref<1x!tpu.dma_semaphore, #tpu.memory_space<semaphore_mem>> -> memref<!tpu.dma_semaphore, #tpu.memory_space<semaphore_mem>>
          %dma_wait3A_854 = arith.constant 0 : i32
          %dma_wait3A_855 = arith.constant 0 : i32
          %dma_wait3A_856 = arith.constant 0 : i32
          %dma_wait3A_857 = tpu.memref_slice %run_scoped3A[%rem3A_844, %dma_wait3A_854, %dma_wait3A_855, %dma_wait3A_856] : memref<2x1x128x128xf32, #tpu.memory_space<vmem>> -> memref<1x1x128x128xf32, #tpu.memory_space<vmem>>
          %dma_wait3A_858 = tpu.memref_squeeze %dma_wait3A_857 : memref<1x1x128x128xf32, #tpu.memory_space<vmem>> -> memref<1x128x128xf32, #tpu.memory_space<vmem>>
          %dma_wait3A_859 = arith.constant 0 : i32
          %dma_wait3A_860 = arith.constant 0 : i32
          %dma_wait3A_861 = tpu.memref_slice %arg2[%mul3A_842, %dma_wait3A_859, %dma_wait3A_860] : memref<1024x128x128xf32, #tpu.memory_space<hbm>> -> memref<1x128x128xf32, #tpu.memory_space<hbm>>
          tpu.wait_dma2 semaphore(%dma_wait3A_853 : memref<!tpu.dma_semaphore, #tpu.memory_space<semaphore_mem>>) src(%dma_wait3A_861 : memref<1x128x128xf32, #tpu.memory_space<hbm>>) dst(%dma_wait3A_858 : memref<1x128x128xf32, #tpu.memory_space<vmem>>)
          "tpu.trace_stop"() : () -> ()
        } else {
        }
        %ne3A_225 = arith.cmpi ne, %add3A_153, %add3A_162 : i32
        %or3A_226 = arith.constant false
        %or3A_227 = arith.ori %or3A_226, %ne3A_225 : i1
        %or3A_228 = arith.constant false
        %or3A_229 = arith.ori %or3A_227, %or3A_228 : i1
        %or3A_230 = arith.constant false
        %or3A_231 = arith.ori %or3A_229, %or3A_230 : i1
        %or3A_232 = arith.ori %or3A_231, %eq3A_150 : i1
        %convert_element_type3A_233 = arith.extui %or3A_232 : i1 to i32
        %cond3A_234 = arith.constant 0 : i32
        %cond3A_235 = arith.cmpi ne, %convert_element_type3A_233, %cond3A_234 : i32
        scf.if %cond3A_235 {
          "tpu.trace_start"() <{level = 10 : i32, message = "ep_wait_in"}> : () -> ()
          %mul3A_841 = arith.constant 1 : i32
          %mul3A_842 = arith.muli %mul3A_841, %add3A_153 : i32
          %rem3A_843 = arith.constant 2 : i32
          %rem3A_844 = arith.remui %scan3A_147, %rem3A_843 : i32
          %dma_wait3A = arith.constant 0 : i32
          %dma_wait3A_845 = arith.constant 0 : i32
          %dma_wait3A_846 = arith.constant 0 : i32
          %dma_wait3A_847 = tpu.memref_slice %run_scoped3A_15[%rem3A_844, %dma_wait3A, %dma_wait3A_845, %dma_wait3A_846] : memref<2x1x128x128xf32, #tpu.memory_space<vmem>> -> memref<1x1x128x128xf32, #tpu.memory_space<vmem>>
          %dma_wait3A_848 = tpu.memref_squeeze %dma_wait3A_847 : memref<1x1x128x128xf32, #tpu.memory_space<vmem>> -> memref<1x128x128xf32, #tpu.memory_space<vmem>>
          %dma_wait3A_849 = arith.constant 0 : i32
          %dma_wait3A_850 = arith.constant 0 : i32
          %dma_wait3A_851 = tpu.memref_slice %arg3[%mul3A_842, %dma_wait3A_849, %dma_wait3A_850] : memref<1024x128x128xf32, #tpu.memory_space<hbm>> -> memref<1x128x128xf32, #tpu.memory_space<hbm>>
          %dma_wait3A_852 = tpu.memref_slice %run_scoped3A_16[%rem3A_844] : memref<2x!tpu.dma_semaphore, #tpu.memory_space<semaphore_mem>> -> memref<1x!tpu.dma_semaphore, #tpu.memory_space<semaphore_mem>>
          %dma_wait3A_853 = tpu.memref_squeeze %dma_wait3A_852 : memref<1x!tpu.dma_semaphore, #tpu.memory_space<semaphore_mem>> -> memref<!tpu.dma_semaphore, #tpu.memory_space<semaphore_mem>>
          %dma_wait3A_854 = arith.constant 0 : i32
          %dma_wait3A_855 = arith.constant 0 : i32
          %dma_wait3A_856 = arith.constant 0 : i32
          %dma_wait3A_857 = tpu.memref_slice %run_scoped3A_15[%rem3A_844, %dma_wait3A_854, %dma_wait3A_855, %dma_wait3A_856] : memref<2x1x128x128xf32, #tpu.memory_space<vmem>> -> memref<1x1x128x128xf32, #tpu.memory_space<vmem>>
          %dma_wait3A_858 = tpu.memref_squeeze %dma_wait3A_857 : memref<1x1x128x128xf32, #tpu.memory_space<vmem>> -> memref<1x128x128xf32, #tpu.memory_space<vmem>>
          %dma_wait3A_859 = arith.constant 0 : i32
          %dma_wait3A_860 = arith.constant 0 : i32
          %dma_wait3A_861 = tpu.memref_slice %arg3[%mul3A_842, %dma_wait3A_859, %dma_wait3A_860] : memref<1024x128x128xf32, #tpu.memory_space<hbm>> -> memref<1x128x128xf32, #tpu.memory_space<hbm>>
          tpu.wait_dma2 semaphore(%dma_wait3A_853 : memref<!tpu.dma_semaphore, #tpu.memory_space<semaphore_mem>>) src(%dma_wait3A_861 : memref<1x128x128xf32, #tpu.memory_space<hbm>>) dst(%dma_wait3A_858 : memref<1x128x128xf32, #tpu.memory_space<vmem>>)
          "tpu.trace_stop"() : () -> ()
        } else {
        }
        %rem3A_236 = arith.constant 2 : i32
        %rem3A_237 = arith.remui %scan3A_145, %rem3A_236 : i32
        %rem3A_238 = arith.constant 2 : i32
        %rem3A_239 = arith.remui %scan3A_147, %rem3A_238 : i32
        %get3A = arith.constant 0 : i32
        %get3A_240 = arith.constant 0 : i32
        "tpu.trace_start"() <{level = 10 : i32, message = "ep_run_kernel"}> : () -> ()
        %get3A_241 = arith.constant 0 : i32
        %get3A_242 = arith.constant 0 : i32
        %get3A_243 = arith.constant 0 : i32
        %get3A_244 = tpu.memref_slice %run_scoped3A[%rem3A_237, %get3A_241, %get3A_242, %get3A_243] : memref<2x1x128x128xf32, #tpu.memory_space<vmem>> -> memref<1x1x128x128xf32, #tpu.memory_space<vmem>>
        %get3A_245 = tpu.memref_squeeze %get3A_244 : memref<1x1x128x128xf32, #tpu.memory_space<vmem>> -> memref<1x128x128xf32, #tpu.memory_space<vmem>>
        %get3A_246 = arith.index_cast %get3A : i32 to index
        %get3A_247 = arith.index_cast %get3A_240 : i32 to index
        %get3A_248 = arith.constant 0 : index
        %get3A_249 = tpu.vector_load %get3A_245[%get3A_246, %get3A_247, %get3A_248] {strides = array<i32>} : memref<1x128x128xf32, #tpu.memory_space<vmem>>, vector<1x1x16xf32>,
        %get3A_250 = vector.shape_cast %get3A_249 : vector<1x1x16xf32> to vector<16xf32>
        %get3A_251 = arith.constant 0 : i32
        %get3A_252 = arith.constant 0 : i32
        %get3A_253 = arith.constant 0 : i32
        %get3A_254 = arith.constant 0 : i32
        %get3A_255 = arith.constant 0 : i32
        %get3A_256 = tpu.memref_slice %run_scoped3A_15[%rem3A_239, %get3A_253, %get3A_254, %get3A_255] : memref<2x1x128x128xf32, #tpu.memory_space<vmem>> -> memref<1x1x128x128xf32, #tpu.memory_space<vmem>>
        %get3A_257 = tpu.memref_squeeze %get3A_256 : memref<1x1x128x128xf32, #tpu.memory_space<vmem>> -> memref<1x128x128xf32, #tpu.memory_space<vmem>>
        %get3A_258 = arith.index_cast %get3A_251 : i32 to index
        %get3A_259 = arith.index_cast %get3A_252 : i32 to index
        %get3A_260 = arith.constant 0 : index
        %get3A_261 = tpu.vector_load %get3A_257[%get3A_258, %get3A_259, %get3A_260] {strides = array<i32>} : memref<1x128x128xf32, #tpu.memory_space<vmem>>, vector<1x1x16xf32>,
        %get3A_262 = vector.shape_cast %get3A_261 : vector<1x1x16xf32> to vector<16xf32>
        %sub3A_263 = arith.subf %get3A_250, %get3A_262 : vector<16xf32>
        %get3A_264 = arith.constant 0 : i32
        %get3A_265 = arith.constant 0 : i32
        %get3A_266 = arith.constant 0 : i32
        %get3A_267 = arith.constant 0 : i32
        %get3A_268 = arith.constant 0 : i32
        %get3A_269 = tpu.memref_slice %run_scoped3A[%rem3A_237, %get3A_266, %get3A_267, %get3A_268] : memref<2x1x128x128xf32, #tpu.memory_space<vmem>> -> memref<1x1x128x128xf32, #tpu.memory_space<vmem>>
        %get3A_270 = tpu.memref_squeeze %get3A_269 : memref<1x1x128x128xf32, #tpu.memory_space<vmem>> -> memref<1x128x128xf32, #tpu.memory_space<vmem>>
        %get3A_271 = arith.index_cast %get3A_264 : i32 to index
        %get3A_272 = arith.index_cast %get3A_265 : i32 to index
        %get3A_273 = arith.constant 16 : index
        %get3A_274 = tpu.vector_load %get3A_270[%get3A_271, %get3A_272, %get3A_273] {strides = array<i32>} : memref<1x128x128xf32, #tpu.memory_space<vmem>>, vector<1x1x16xf32>,
        %get3A_275 = vector.shape_cast %get3A_274 : vector<1x1x16xf32> to vector<16xf32>
        %get3A_276 = arith.constant 0 : i32
        %get3A_277 = arith.constant 0 : i32
        %get3A_278 = arith.constant 0 : i32
        %get3A_279 = arith.constant 0 : i32
        %get3A_280 = arith.constant 0 : i32
        %get3A_281 = tpu.memref_slice %run_scoped3A_15[%rem3A_239, %get3A_278, %get3A_279, %get3A_280] : memref<2x1x128x128xf32, #tpu.memory_space<vmem>> -> memref<1x1x128x128xf32, #tpu.memory_space<vmem>>
        %get3A_282 = tpu.memref_squeeze %get3A_281 : memref<1x1x128x128xf32, #tpu.memory_space<vmem>> -> memref<1x128x128xf32, #tpu.memory_space<vmem>>
        %get3A_283 = arith.index_cast %get3A_276 : i32 to index
        %get3A_284 = arith.index_cast %get3A_277 : i32 to index
        %get3A_285 = arith.constant 16 : index
        %get3A_286 = tpu.vector_load %get3A_282[%get3A_283, %get3A_284, %get3A_285] {strides = array<i32>} : memref<1x128x128xf32, #tpu.memory_space<vmem>>, vector<1x1x16xf32>,
        %get3A_287 = vector.shape_cast %get3A_286 : vector<1x1x16xf32> to vector<16xf32>
        %sub3A_288 = arith.subf %get3A_275, %get3A_287 : vector<16xf32>
        %get3A_289 = arith.constant 0 : i32
        %get3A_290 = arith.constant 0 : i32
        %get3A_291 = arith.constant 0 : i32
        %get3A_292 = arith.constant 0 : i32
        %get3A_293 = arith.constant 0 : i32
        %get3A_294 = tpu.memref_slice %run_scoped3A[%rem3A_237, %get3A_291, %get3A_292, %get3A_293] : memref<2x1x128x128xf32, #tpu.memory_space<vmem>> -> memref<1x1x128x128xf32, #tpu.memory_space<vmem>>
        %get3A_295 = tpu.memref_squeeze %get3A_294 : memref<1x1x128x128xf32, #tpu.memory_space<vmem>> -> memref<1x128x128xf32, #tpu.memory_space<vmem>>
        %get3A_296 = arith.index_cast %get3A_289 : i32 to index
        %get3A_297 = arith.index_cast %get3A_290 : i32 to index
        %get3A_298 = arith.constant 32 : index
        %get3A_299 = tpu.vector_load %get3A_295[%get3A_296, %get3A_297, %get3A_298] {strides = array<i32>} : memref<1x128x128xf32, #tpu.memory_space<vmem>>, vector<1x1x16xf32>,
        %get3A_300 = vector.shape_cast %get3A_299 : vector<1x1x16xf32> to vector<16xf32>
        %get3A_301 = arith.constant 0 : i32
        %get3A_302 = arith.constant 0 : i32
        %get3A_303 = arith.constant 0 : i32
        %get3A_304 = arith.constant 0 : i32
        %get3A_305 = arith.constant 0 : i32
        %get3A_306 = tpu.memref_slice %run_scoped3A_15[%rem3A_239, %get3A_303, %get3A_304, %get3A_305] : memref<2x1x128x128xf32, #tpu.memory_space<vmem>> -> memref<1x1x128x128xf32, #tpu.memory_space<vmem>>
        %get3A_307 = tpu.memref_squeeze %get3A_306 : memref<1x1x128x128xf32, #tpu.memory_space<vmem>> -> memref<1x128x128xf32, #tpu.memory_space<vmem>>
        %get3A_308 = arith.index_cast %get3A_301 : i32 to index
        %get3A_309 = arith.index_cast %get3A_302 : i32 to index
        %get3A_310 = arith.constant 32 : index
        %get3A_311 = tpu.vector_load %get3A_307[%get3A_308, %get3A_309, %get3A_310] {strides = array<i32>} : memref<1x128x128xf32, #tpu.memory_space<vmem>>, vector<1x1x16xf32>,
        %get3A_312 = vector.shape_cast %get3A_311 : vector<1x1x16xf32> to vector<16xf32>
        %sub3A_313 = arith.subf %get3A_300, %get3A_312 : vector<16xf32>
        %get3A_314 = arith.constant 0 : i32
        %get3A_315 = arith.constant 0 : i32
        %get3A_316 = arith.constant 0 : i32
        %get3A_317 = arith.constant 0 : i32
        %get3A_318 = arith.constant 0 : i32
        %get3A_319 = tpu.memref_slice %run_scoped3A[%rem3A_237, %get3A_316, %get3A_317, %get3A_318] : memref<2x1x128x128xf32, #tpu.memory_space<vmem>> -> memref<1x1x128x128xf32, #tpu.memory_space<vmem>>
        %get3A_320 = tpu.memref_squeeze %get3A_319 : memref<1x1x128x128xf32, #tpu.memory_space<vmem>> -> memref<1x128x128xf32, #tpu.memory_space<vmem>>
        %get3A_321 = arith.index_cast %get3A_314 : i32 to index
        %get3A_322 = arith.index_cast %get3A_315 : i32 to index
        %get3A_323 = arith.constant 48 : index
        %get3A_324 = tpu.vector_load %get3A_320[%get3A_321, %get3A_322, %get3A_323] {strides = array<i32>} : memref<1x128x128xf32, #tpu.memory_space<vmem>>, vector<1x1x16xf32>,
        %get3A_325 = vector.shape_cast %get3A_324 : vector<1x1x16xf32> to vector<16xf32>
        %get3A_326 = arith.constant 0 : i32
        %get3A_327 = arith.constant 0 : i32
        %get3A_328 = arith.constant 0 : i32
        %get3A_329 = arith.constant 0 : i32
        %get3A_330 = arith.constant 0 : i32
        %get3A_331 = tpu.memref_slice %run_scoped3A_15[%rem3A_239, %get3A_328, %get3A_329, %get3A_330] : memref<2x1x128x128xf32, #tpu.memory_space<vmem>> -> memref<1x1x128x128xf32, #tpu.memory_space<vmem>>
        %get3A_332 = tpu.memref_squeeze %get3A_331 : memref<1x1x128x128xf32, #tpu.memory_space<vmem>> -> memref<1x128x128xf32, #tpu.memory_space<vmem>>
        %get3A_333 = arith.index_cast %get3A_326 : i32 to index
        %get3A_334 = arith.index_cast %get3A_327 : i32 to index
        %get3A_335 = arith.constant 48 : index
        %get3A_336 = tpu.vector_load %get3A_332[%get3A_333, %get3A_334, %get3A_335] {strides = array<i32>} : memref<1x128x128xf32, #tpu.memory_space<vmem>>, vector<1x1x16xf32>,
        %get3A_337 = vector.shape_cast %get3A_336 : vector<1x1x16xf32> to vector<16xf32>
        %sub3A_338 = arith.subf %get3A_325, %get3A_337 : vector<16xf32>
        %get3A_339 = arith.constant 0 : i32
        %get3A_340 = arith.constant 0 : i32
        %get3A_341 = arith.constant 0 : i32
        %get3A_342 = arith.constant 0 : i32
        %get3A_343 = arith.constant 0 : i32
        %get3A_344 = tpu.memref_slice %run_scoped3A[%rem3A_237, %get3A_341, %get3A_342, %get3A_343] : memref<2x1x128x128xf32, #tpu.memory_space<vmem>> -> memref<1x1x128x128xf32, #tpu.memory_space<vmem>>
        %get3A_345 = tpu.memref_squeeze %get3A_344 : memref<1x1x128x128xf32, #tpu.memory_space<vmem>> -> memref<1x128x128xf32, #tpu.memory_space<vmem>>
        %get3A_346 = arith.index_cast %get3A_339 : i32 to index
        %get3A_347 = arith.index_cast %get3A_340 : i32 to index
        %get3A_348 = arith.constant 64 : index
        %get3A_349 = tpu.vector_load %get3A_345[%get3A_346, %get3A_347, %get3A_348] {strides = array<i32>} : memref<1x128x128xf32, #tpu.memory_space<vmem>>, vector<1x1x16xf32>,
        %get3A_350 = vector.shape_cast %get3A_349 : vector<1x1x16xf32> to vector<16xf32>
        %get3A_351 = arith.constant 0 : i32
        %get3A_352 = arith.constant 0 : i32
        %get3A_353 = arith.constant 0 : i32
        %get3A_354 = arith.constant 0 : i32
        %get3A_355 = arith.constant 0 : i32
        %get3A_356 = tpu.memref_slice %run_scoped3A_15[%rem3A_239, %get3A_353, %get3A_354, %get3A_355] : memref<2x1x128x128xf32, #tpu.memory_space<vmem>> -> memref<1x1x128x128xf32, #tpu.memory_space<vmem>>
        %get3A_357 = tpu.memref_squeeze %get3A_356 : memref<1x1x128x128xf32, #tpu.memory_space<vmem>> -> memref<1x128x128xf32, #tpu.memory_space<vmem>>
        %get3A_358 = arith.index_cast %get3A_351 : i32 to index
        %get3A_359 = arith.index_cast %get3A_352 : i32 to index
        %get3A_360 = arith.constant 64 : index
        %get3A_361 = tpu.vector_load %get3A_357[%get3A_358, %get3A_359, %get3A_360] {strides = array<i32>} : memref<1x128x128xf32, #tpu.memory_space<vmem>>, vector<1x1x16xf32>,
        %get3A_362 = vector.shape_cast %get3A_361 : vector<1x1x16xf32> to vector<16xf32>
        %sub3A_363 = arith.subf %get3A_350, %get3A_362 : vector<16xf32>
        %get3A_364 = arith.constant 0 : i32
        %get3A_365 = arith.constant 0 : i32
        %get3A_366 = arith.constant 0 : i32
        %get3A_367 = arith.constant 0 : i32
        %get3A_368 = arith.constant 0 : i32
        %get3A_369 = tpu.memref_slice %run_scoped3A[%rem3A_237, %get3A_366, %get3A_367, %get3A_368] : memref<2x1x128x128xf32, #tpu.memory_space<vmem>> -> memref<1x1x128x128xf32, #tpu.memory_space<vmem>>
        %get3A_370 = tpu.memref_squeeze %get3A_369 : memref<1x1x128x128xf32, #tpu.memory_space<vmem>> -> memref<1x128x128xf32, #tpu.memory_space<vmem>>
        %get3A_371 = arith.index_cast %get3A_364 : i32 to index
        %get3A_372 = arith.index_cast %get3A_365 : i32 to index
        %get3A_373 = arith.constant 80 : index
        %get3A_374 = tpu.vector_load %get3A_370[%get3A_371, %get3A_372, %get3A_373] {strides = array<i32>} : memref<1x128x128xf32, #tpu.memory_space<vmem>>, vector<1x1x16xf32>,
        %get3A_375 = vector.shape_cast %get3A_374 : vector<1x1x16xf32> to vector<16xf32>
        %get3A_376 = arith.constant 0 : i32
        %get3A_377 = arith.constant 0 : i32
        %get3A_378 = arith.constant 0 : i32
        %get3A_379 = arith.constant 0 : i32
        %get3A_380 = arith.constant 0 : i32
        %get3A_381 = tpu.memref_slice %run_scoped3A_15[%rem3A_239, %get3A_378, %get3A_379, %get3A_380] : memref<2x1x128x128xf32, #tpu.memory_space<vmem>> -> memref<1x1x128x128xf32, #tpu.memory_space<vmem>>
        %get3A_382 = tpu.memref_squeeze %get3A_381 : memref<1x1x128x128xf32, #tpu.memory_space<vmem>> -> memref<1x128x128xf32, #tpu.memory_space<vmem>>
        %get3A_383 = arith.index_cast %get3A_376 : i32 to index
        %get3A_384 = arith.index_cast %get3A_377 : i32 to index
        %get3A_385 = arith.constant 80 : index
        %get3A_386 = tpu.vector_load %get3A_382[%get3A_383, %get3A_384, %get3A_385] {strides = array<i32>} : memref<1x128x128xf32, #tpu.memory_space<vmem>>, vector<1x1x16xf32>,
        %get3A_387 = vector.shape_cast %get3A_386 : vector<1x1x16xf32> to vector<16xf32>
        %sub3A_388 = arith.subf %get3A_375, %get3A_387 : vector<16xf32>
        %get3A_389 = arith.constant 0 : i32
        %get3A_390 = arith.constant 0 : i32
        %get3A_391 = arith.constant 0 : i32
        %get3A_392 = arith.constant 0 : i32
        %get3A_393 = arith.constant 0 : i32
        %get3A_394 = tpu.memref_slice %run_scoped3A[%rem3A_237, %get3A_391, %get3A_392, %get3A_393] : memref<2x1x128x128xf32, #tpu.memory_space<vmem>> -> memref<1x1x128x128xf32, #tpu.memory_space<vmem>>
        %get3A_395 = tpu.memref_squeeze %get3A_394 : memref<1x1x128x128xf32, #tpu.memory_space<vmem>> -> memref<1x128x128xf32, #tpu.memory_space<vmem>>
        %get3A_396 = arith.index_cast %get3A_389 : i32 to index
        %get3A_397 = arith.index_cast %get3A_390 : i32 to index
        %get3A_398 = arith.constant 96 : index
        %get3A_399 = tpu.vector_load %get3A_395[%get3A_396, %get3A_397, %get3A_398] {strides = array<i32>} : memref<1x128x128xf32, #tpu.memory_space<vmem>>, vector<1x1x16xf32>,
        %get3A_400 = vector.shape_cast %get3A_399 : vector<1x1x16xf32> to vector<16xf32>
        %get3A_401 = arith.constant 0 : i32
        %get3A_402 = arith.constant 0 : i32
        %get3A_403 = arith.constant 0 : i32
        %get3A_404 = arith.constant 0 : i32
        %get3A_405 = arith.constant 0 : i32
        %get3A_406 = tpu.memref_slice %run_scoped3A_15[%rem3A_239, %get3A_403, %get3A_404, %get3A_405] : memref<2x1x128x128xf32, #tpu.memory_space<vmem>> -> memref<1x1x128x128xf32, #tpu.memory_space<vmem>>
        %get3A_407 = tpu.memref_squeeze %get3A_406 : memref<1x1x128x128xf32, #tpu.memory_space<vmem>> -> memref<1x128x128xf32, #tpu.memory_space<vmem>>
        %get3A_408 = arith.index_cast %get3A_401 : i32 to index
        %get3A_409 = arith.index_cast %get3A_402 : i32 to index
        %get3A_410 = arith.constant 96 : index
        %get3A_411 = tpu.vector_load %get3A_407[%get3A_408, %get3A_409, %get3A_410] {strides = array<i32>} : memref<1x128x128xf32, #tpu.memory_space<vmem>>, vector<1x1x16xf32>,
        %get3A_412 = vector.shape_cast %get3A_411 : vector<1x1x16xf32> to vector<16xf32>
        %sub3A_413 = arith.subf %get3A_400, %get3A_412 : vector<16xf32>
        %get3A_414 = arith.constant 0 : i32
        %get3A_415 = arith.constant 0 : i32
        %get3A_416 = arith.constant 0 : i32
        %get3A_417 = arith.constant 0 : i32
        %get3A_418 = arith.constant 0 : i32
        %get3A_419 = tpu.memref_slice %run_scoped3A[%rem3A_237, %get3A_416, %get3A_417, %get3A_418] : memref<2x1x128x128xf32, #tpu.memory_space<vmem>> -> memref<1x1x128x128xf32, #tpu.memory_space<vmem>>
        %get3A_420 = tpu.memref_squeeze %get3A_419 : memref<1x1x128x128xf32, #tpu.memory_space<vmem>> -> memref<1x128x128xf32, #tpu.memory_space<vmem>>
        %get3A_421 = arith.index_cast %get3A_414 : i32 to index
        %get3A_422 = arith.index_cast %get3A_415 : i32 to index
        %get3A_423 = arith.constant 112 : index
        %get3A_424 = tpu.vector_load %get3A_420[%get3A_421, %get3A_422, %get3A_423] {strides = array<i32>} : memref<1x128x128xf32, #tpu.memory_space<vmem>>, vector<1x1x16xf32>,
        %get3A_425 = vector.shape_cast %get3A_424 : vector<1x1x16xf32> to vector<16xf32>
        %get3A_426 = arith.constant 0 : i32
        %get3A_427 = arith.constant 0 : i32
        %get3A_428 = arith.constant 0 : i32
        %get3A_429 = arith.constant 0 : i32
        %get3A_430 = arith.constant 0 : i32
        %get3A_431 = tpu.memref_slice %run_scoped3A_15[%rem3A_239, %get3A_428, %get3A_429, %get3A_430] : memref<2x1x128x128xf32, #tpu.memory_space<vmem>> -> memref<1x1x128x128xf32, #tpu.memory_space<vmem>>
        %get3A_432 = tpu.memref_squeeze %get3A_431 : memref<1x1x128x128xf32, #tpu.memory_space<vmem>> -> memref<1x128x128xf32, #tpu.memory_space<vmem>>
        %get3A_433 = arith.index_cast %get3A_426 : i32 to index
        %get3A_434 = arith.index_cast %get3A_427 : i32 to index
        %get3A_435 = arith.constant 112 : index
        %get3A_436 = tpu.vector_load %get3A_432[%get3A_433, %get3A_434, %get3A_435] {strides = array<i32>} : memref<1x128x128xf32, #tpu.memory_space<vmem>>, vector<1x1x16xf32>,
        %get3A_437 = vector.shape_cast %get3A_436 : vector<1x1x16xf32> to vector<16xf32>
        %sub3A_438 = arith.subf %get3A_425, %get3A_437 : vector<16xf32>
        %get3A_439 = arith.constant 0 : i32
        %get3A_440 = arith.constant 1 : i32
        %get3A_441 = arith.constant 0 : i32
        %get3A_442 = arith.constant 0 : i32
        %get3A_443 = arith.constant 0 : i32
        %get3A_444 = tpu.memref_slice %run_scoped3A[%rem3A_237, %get3A_441, %get3A_442, %get3A_443] : memref<2x1x128x128xf32, #tpu.memory_space<vmem>> -> memref<1x1x128x128xf32, #tpu.memory_space<vmem>>
        %get3A_445 = tpu.memref_squeeze %get3A_444 : memref<1x1x128x128xf32, #tpu.memory_space<vmem>> -> memref<1x128x128xf32, #tpu.memory_space<vmem>>
        %get3A_446 = arith.index_cast %get3A_439 : i32 to index
        %get3A_447 = arith.index_cast %get3A_440 : i32 to index
        %get3A_448 = arith.constant 0 : index
        %get3A_449 = tpu.vector_load %get3A_445[%get3A_446, %get3A_447, %get3A_448] {strides = array<i32>} : memref<1x128x128xf32, #tpu.memory_space<vmem>>, vector<1x1x16xf32>,
        %get3A_450 = vector.shape_cast %get3A_449 : vector<1x1x16xf32> to vector<16xf32>
        %get3A_451 = arith.constant 0 : i32
        %get3A_452 = arith.constant 1 : i32
        %get3A_453 = arith.constant 0 : i32
        %get3A_454 = arith.constant 0 : i32
        %get3A_455 = arith.constant 0 : i32
        %get3A_456 = tpu.memref_slice %run_scoped3A_15[%rem3A_239, %get3A_453, %get3A_454, %get3A_455] : memref<2x1x128x128xf32, #tpu.memory_space<vmem>> -> memref<1x1x128x128xf32, #tpu.memory_space<vmem>>
        %get3A_457 = tpu.memref_squeeze %get3A_456 : memref<1x1x128x128xf32, #tpu.memory_space<vmem>> -> memref<1x128x128xf32, #tpu.memory_space<vmem>>
        %get3A_458 = arith.index_cast %get3A_451 : i32 to index
        %get3A_459 = arith.index_cast %get3A_452 : i32 to index
        %get3A_460 = arith.constant 0 : index
        %get3A_461 = tpu.vector_load %get3A_457[%get3A_458, %get3A_459, %get3A_460] {strides = array<i32>} : memref<1x128x128xf32, #tpu.memory_space<vmem>>, vector<1x1x16xf32>,
        %get3A_462 = vector.shape_cast %get3A_461 : vector<1x1x16xf32> to vector<16xf32>
        %sub3A_463 = arith.subf %get3A_450, %get3A_462 : vector<16xf32>
        %get3A_464 = arith.constant 0 : i32
        %get3A_465 = arith.constant 1 : i32
        %get3A_466 = arith.constant 0 : i32
        %get3A_467 = arith.constant 0 : i32
        %get3A_468 = arith.constant 0 : i32
        %get3A_469 = tpu.memref_slice %run_scoped3A[%rem3A_237, %get3A_466, %get3A_467, %get3A_468] : memref<2x1x128x128xf32, #tpu.memory_space<vmem>> -> memref<1x1x128x128xf32, #tpu.memory_space<vmem>>
        %get3A_470 = tpu.memref_squeeze %get3A_469 : memref<1x1x128x128xf32, #tpu.memory_space<vmem>> -> memref<1x128x128xf32, #tpu.memory_space<vmem>>
        %get3A_471 = arith.index_cast %get3A_464 : i32 to index
        %get3A_472 = arith.index_cast %get3A_465 : i32 to index
        %get3A_473 = arith.constant 16 : index
        %get3A_474 = tpu.vector_load %get3A_470[%get3A_471, %get3A_472, %get3A_473] {strides = array<i32>} : memref<1x128x128xf32, #tpu.memory_space<vmem>>, vector<1x1x16xf32>,
        %get3A_475 = vector.shape_cast %get3A_474 : vector<1x1x16xf32> to vector<16xf32>
        %get3A_476 = arith.constant 0 : i32
        %get3A_477 = arith.constant 1 : i32
        %get3A_478 = arith.constant 0 : i32
        %get3A_479 = arith.constant 0 : i32
        %get3A_480 = arith.constant 0 : i32
        %get3A_481 = tpu.memref_slice %run_scoped3A_15[%rem3A_239, %get3A_478, %get3A_479, %get3A_480] : memref<2x1x128x128xf32, #tpu.memory_space<vmem>> -> memref<1x1x128x128xf32, #tpu.memory_space<vmem>>
        %get3A_482 = tpu.memref_squeeze %get3A_481 : memref<1x1x128x128xf32, #tpu.memory_space<vmem>> -> memref<1x128x128xf32, #tpu.memory_space<vmem>>
        %get3A_483 = arith.index_cast %get3A_476 : i32 to index
        %get3A_484 = arith.index_cast %get3A_477 : i32 to index
        %get3A_485 = arith.constant 16 : index
        %get3A_486 = tpu.vector_load %get3A_482[%get3A_483, %get3A_484, %get3A_485] {strides = array<i32>} : memref<1x128x128xf32, #tpu.memory_space<vmem>>, vector<1x1x16xf32>,
        %get3A_487 = vector.shape_cast %get3A_486 : vector<1x1x16xf32> to vector<16xf32>
        %sub3A_488 = arith.subf %get3A_475, %get3A_487 : vector<16xf32>
        %get3A_489 = arith.constant 0 : i32
        %get3A_490 = arith.constant 1 : i32
        %get3A_491 = arith.constant 0 : i32
        %get3A_492 = arith.constant 0 : i32
        %get3A_493 = arith.constant 0 : i32
        %get3A_494 = tpu.memref_slice %run_scoped3A[%rem3A_237, %get3A_491, %get3A_492, %get3A_493] : memref<2x1x128x128xf32, #tpu.memory_space<vmem>> -> memref<1x1x128x128xf32, #tpu.memory_space<vmem>>
        %get3A_495 = tpu.memref_squeeze %get3A_494 : memref<1x1x128x128xf32, #tpu.memory_space<vmem>> -> memref<1x128x128xf32, #tpu.memory_space<vmem>>
        %get3A_496 = arith.index_cast %get3A_489 : i32 to index
        %get3A_497 = arith.index_cast %get3A_490 : i32 to index
        %get3A_498 = arith.constant 32 : index
        %get3A_499 = tpu.vector_load %get3A_495[%get3A_496, %get3A_497, %get3A_498] {strides = array<i32>} : memref<1x128x128xf32, #tpu.memory_space<vmem>>, vector<1x1x16xf32>,
        %get3A_500 = vector.shape_cast %get3A_499 : vector<1x1x16xf32> to vector<16xf32>
        %get3A_501 = arith.constant 0 : i32
        %get3A_502 = arith.constant 1 : i32
        %get3A_503 = arith.constant 0 : i32
        %get3A_504 = arith.constant 0 : i32
        %get3A_505 = arith.constant 0 : i32
        %get3A_506 = tpu.memref_slice %run_scoped3A_15[%rem3A_239, %get3A_503, %get3A_504, %get3A_505] : memref<2x1x128x128xf32, #tpu.memory_space<vmem>> -> memref<1x1x128x128xf32, #tpu.memory_space<vmem>>
        %get3A_507 = tpu.memref_squeeze %get3A_506 : memref<1x1x128x128xf32, #tpu.memory_space<vmem>> -> memref<1x128x128xf32, #tpu.memory_space<vmem>>
        %get3A_508 = arith.index_cast %get3A_501 : i32 to index
        %get3A_509 = arith.index_cast %get3A_502 : i32 to index
        %get3A_510 = arith.constant 32 : index
        %get3A_511 = tpu.vector_load %get3A_507[%get3A_508, %get3A_509, %get3A_510] {strides = array<i32>} : memref<1x128x128xf32, #tpu.memory_space<vmem>>, vector<1x1x16xf32>,
        %get3A_512 = vector.shape_cast %get3A_511 : vector<1x1x16xf32> to vector<16xf32>
        %sub3A_513 = arith.subf %get3A_500, %get3A_512 : vector<16xf32>
        %get3A_514 = arith.constant 0 : i32
        %get3A_515 = arith.constant 1 : i32
        %get3A_516 = arith.constant 0 : i32
        %get3A_517 = arith.constant 0 : i32
        %get3A_518 = arith.constant 0 : i32
        %get3A_519 = tpu.memref_slice %run_scoped3A[%rem3A_237, %get3A_516, %get3A_517, %get3A_518] : memref<2x1x128x128xf32, #tpu.memory_space<vmem>> -> memref<1x1x128x128xf32, #tpu.memory_space<vmem>>
        %get3A_520 = tpu.memref_squeeze %get3A_519 : memref<1x1x128x128xf32, #tpu.memory_space<vmem>> -> memref<1x128x128xf32, #tpu.memory_space<vmem>>
        %get3A_521 = arith.index_cast %get3A_514 : i32 to index
        %get3A_522 = arith.index_cast %get3A_515 : i32 to index
        %get3A_523 = arith.constant 48 : index
        %get3A_524 = tpu.vector_load %get3A_520[%get3A_521, %get3A_522, %get3A_523] {strides = array<i32>} : memref<1x128x128xf32, #tpu.memory_space<vmem>>, vector<1x1x16xf32>,
        %get3A_525 = vector.shape_cast %get3A_524 : vector<1x1x16xf32> to vector<16xf32>
        %get3A_526 = arith.constant 0 : i32
        %get3A_527 = arith.constant 1 : i32
        %get3A_528 = arith.constant 0 : i32
        %get3A_529 = arith.constant 0 : i32
        %get3A_530 = arith.constant 0 : i32
        %get3A_531 = tpu.memref_slice %run_scoped3A_15[%rem3A_239, %get3A_528, %get3A_529, %get3A_530] : memref<2x1x128x128xf32, #tpu.memory_space<vmem>> -> memref<1x1x128x128xf32, #tpu.memory_space<vmem>>
        %get3A_532 = tpu.memref_squeeze %get3A_531 : memref<1x1x128x128xf32, #tpu.memory_space<vmem>> -> memref<1x128x128xf32, #tpu.memory_space<vmem>>
        %get3A_533 = arith.index_cast %get3A_526 : i32 to index
        %get3A_534 = arith.index_cast %get3A_527 : i32 to index
        %get3A_535 = arith.constant 48 : index
        %get3A_536 = tpu.vector_load %get3A_532[%get3A_533, %get3A_534, %get3A_535] {strides = array<i32>} : memref<1x128x128xf32, #tpu.memory_space<vmem>>, vector<1x1x16xf32>,
        %get3A_537 = vector.shape_cast %get3A_536 : vector<1x1x16xf32> to vector<16xf32>
        %sub3A_538 = arith.subf %get3A_525, %get3A_537 : vector<16xf32>
        %get3A_539 = arith.constant 0 : i32
        %get3A_540 = arith.constant 1 : i32
        %get3A_541 = arith.constant 0 : i32
        %get3A_542 = arith.constant 0 : i32
        %get3A_543 = arith.constant 0 : i32
        %get3A_544 = tpu.memref_slice %run_scoped3A[%rem3A_237, %get3A_541, %get3A_542, %get3A_543] : memref<2x1x128x128xf32, #tpu.memory_space<vmem>> -> memref<1x1x128x128xf32, #tpu.memory_space<vmem>>
        %get3A_545 = tpu.memref_squeeze %get3A_544 : memref<1x1x128x128xf32, #tpu.memory_space<vmem>> -> memref<1x128x128xf32, #tpu.memory_space<vmem>>
        %get3A_546 = arith.index_cast %get3A_539 : i32 to index
        %get3A_547 = arith.index_cast %get3A_540 : i32 to index
        %get3A_548 = arith.constant 64 : index
        %get3A_549 = tpu.vector_load %get3A_545[%get3A_546, %get3A_547, %get3A_548] {strides = array<i32>} : memref<1x128x128xf32, #tpu.memory_space<vmem>>, vector<1x1x16xf32>,
        %get3A_550 = vector.shape_cast %get3A_549 : vector<1x1x16xf32> to vector<16xf32>
        %get3A_551 = arith.constant 0 : i32
        %get3A_552 = arith.constant 1 : i32
        %get3A_553 = arith.constant 0 : i32
        %get3A_554 = arith.constant 0 : i32
        %get3A_555 = arith.constant 0 : i32
        %get3A_556 = tpu.memref_slice %run_scoped3A_15[%rem3A_239, %get3A_553, %get3A_554, %get3A_555] : memref<2x1x128x128xf32, #tpu.memory_space<vmem>> -> memref<1x1x128x128xf32, #tpu.memory_space<vmem>>
        %get3A_557 = tpu.memref_squeeze %get3A_556 : memref<1x1x128x128xf32, #tpu.memory_space<vmem>> -> memref<1x128x128xf32, #tpu.memory_space<vmem>>
        %get3A_558 = arith.index_cast %get3A_551 : i32 to index
        %get3A_559 = arith.index_cast %get3A_552 : i32 to index
        %get3A_560 = arith.constant 64 : index
        %get3A_561 = tpu.vector_load %get3A_557[%get3A_558, %get3A_559, %get3A_560] {strides = array<i32>} : memref<1x128x128xf32, #tpu.memory_space<vmem>>, vector<1x1x16xf32>,
        %get3A_562 = vector.shape_cast %get3A_561 : vector<1x1x16xf32> to vector<16xf32>
        %sub3A_563 = arith.subf %get3A_550, %get3A_562 : vector<16xf32>
        %get3A_564 = arith.constant 0 : i32
        %get3A_565 = arith.constant 1 : i32
        %get3A_566 = arith.constant 0 : i32
        %get3A_567 = arith.constant 0 : i32
        %get3A_568 = arith.constant 0 : i32
        %get3A_569 = tpu.memref_slice %run_scoped3A[%rem3A_237, %get3A_566, %get3A_567, %get3A_568] : memref<2x1x128x128xf32, #tpu.memory_space<vmem>> -> memref<1x1x128x128xf32, #tpu.memory_space<vmem>>
        %get3A_570 = tpu.memref_squeeze %get3A_569 : memref<1x1x128x128xf32, #tpu.memory_space<vmem>> -> memref<1x128x128xf32, #tpu.memory_space<vmem>>
        %get3A_571 = arith.index_cast %get3A_564 : i32 to index
        %get3A_572 = arith.index_cast %get3A_565 : i32 to index
        %get3A_573 = arith.constant 80 : index
        %get3A_574 = tpu.vector_load %get3A_570[%get3A_571, %get3A_572, %get3A_573] {strides = array<i32>} : memref<1x128x128xf32, #tpu.memory_space<vmem>>, vector<1x1x16xf32>,
        %get3A_575 = vector.shape_cast %get3A_574 : vector<1x1x16xf32> to vector<16xf32>
        %get3A_576 = arith.constant 0 : i32
        %get3A_577 = arith.constant 1 : i32
        %get3A_578 = arith.constant 0 : i32
        %get3A_579 = arith.constant 0 : i32
        %get3A_580 = arith.constant 0 : i32
        %get3A_581 = tpu.memref_slice %run_scoped3A_15[%rem3A_239, %get3A_578, %get3A_579, %get3A_580] : memref<2x1x128x128xf32, #tpu.memory_space<vmem>> -> memref<1x1x128x128xf32, #tpu.memory_space<vmem>>
        %get3A_582 = tpu.memref_squeeze %get3A_581 : memref<1x1x128x128xf32, #tpu.memory_space<vmem>> -> memref<1x128x128xf32, #tpu.memory_space<vmem>>
        %get3A_583 = arith.index_cast %get3A_576 : i32 to index
        %get3A_584 = arith.index_cast %get3A_577 : i32 to index
        %get3A_585 = arith.constant 80 : index
        %get3A_586 = tpu.vector_load %get3A_582[%get3A_583, %get3A_584, %get3A_585] {strides = array<i32>} : memref<1x128x128xf32, #tpu.memory_space<vmem>>, vector<1x1x16xf32>,
        %get3A_587 = vector.shape_cast %get3A_586 : vector<1x1x16xf32> to vector<16xf32>
        %sub3A_588 = arith.subf %get3A_575, %get3A_587 : vector<16xf32>
        %get3A_589 = arith.constant 0 : i32
        %get3A_590 = arith.constant 1 : i32
        %get3A_591 = arith.constant 0 : i32
        %get3A_592 = arith.constant 0 : i32
        %get3A_593 = arith.constant 0 : i32
        %get3A_594 = tpu.memref_slice %run_scoped3A[%rem3A_237, %get3A_591, %get3A_592, %get3A_593] : memref<2x1x128x128xf32, #tpu.memory_space<vmem>> -> memref<1x1x128x128xf32, #tpu.memory_space<vmem>>
        %get3A_595 = tpu.memref_squeeze %get3A_594 : memref<1x1x128x128xf32, #tpu.memory_space<vmem>> -> memref<1x128x128xf32, #tpu.memory_space<vmem>>
        %get3A_596 = arith.index_cast %get3A_589 : i32 to index
        %get3A_597 = arith.index_cast %get3A_590 : i32 to index
        %get3A_598 = arith.constant 96 : index
        %get3A_599 = tpu.vector_load %get3A_595[%get3A_596, %get3A_597, %get3A_598] {strides = array<i32>} : memref<1x128x128xf32, #tpu.memory_space<vmem>>, vector<1x1x16xf32>,
        %get3A_600 = vector.shape_cast %get3A_599 : vector<1x1x16xf32> to vector<16xf32>
        %get3A_601 = arith.constant 0 : i32
        %get3A_602 = arith.constant 1 : i32
        %get3A_603 = arith.constant 0 : i32
        %get3A_604 = arith.constant 0 : i32
        %get3A_605 = arith.constant 0 : i32
        %get3A_606 = tpu.memref_slice %run_scoped3A_15[%rem3A_239, %get3A_603, %get3A_604, %get3A_605] : memref<2x1x128x128xf32, #tpu.memory_space<vmem>> -> memref<1x1x128x128xf32, #tpu.memory_space<vmem>>
        %get3A_607 = tpu.memref_squeeze %get3A_606 : memref<1x1x128x128xf32, #tpu.memory_space<vmem>> -> memref<1x128x128xf32, #tpu.memory_space<vmem>>
        %get3A_608 = arith.index_cast %get3A_601 : i32 to index
        %get3A_609 = arith.index_cast %get3A_602 : i32 to index
        %get3A_610 = arith.constant 96 : index
        %get3A_611 = tpu.vector_load %get3A_607[%get3A_608, %get3A_609, %get3A_610] {strides = array<i32>} : memref<1x128x128xf32, #tpu.memory_space<vmem>>, vector<1x1x16xf32>,
        %get3A_612 = vector.shape_cast %get3A_611 : vector<1x1x16xf32> to vector<16xf32>
        %sub3A_613 = arith.subf %get3A_600, %get3A_612 : vector<16xf32>
        %get3A_614 = arith.constant 0 : i32
        %get3A_615 = arith.constant 1 : i32
        %get3A_616 = arith.constant 0 : i32
        %get3A_617 = arith.constant 0 : i32
        %get3A_618 = arith.constant 0 : i32
        %get3A_619 = tpu.memref_slice %run_scoped3A[%rem3A_237, %get3A_616, %get3A_617, %get3A_618] : memref<2x1x128x128xf32, #tpu.memory_space<vmem>> -> memref<1x1x128x128xf32, #tpu.memory_space<vmem>>
        %get3A_620 = tpu.memref_squeeze %get3A_619 : memref<1x1x128x128xf32, #tpu.memory_space<vmem>> -> memref<1x128x128xf32, #tpu.memory_space<vmem>>
        %get3A_621 = arith.index_cast %get3A_614 : i32 to index
        %get3A_622 = arith.index_cast %get3A_615 : i32 to index
        %get3A_623 = arith.constant 112 : index
        %get3A_624 = tpu.vector_load %get3A_620[%get3A_621, %get3A_622, %get3A_623] {strides = array<i32>} : memref<1x128x128xf32, #tpu.memory_space<vmem>>, vector<1x1x16xf32>,
        %get3A_625 = vector.shape_cast %get3A_624 : vector<1x1x16xf32> to vector<16xf32>
        %get3A_626 = arith.constant 0 : i32
        %get3A_627 = arith.constant 1 : i32
        %get3A_628 = arith.constant 0 : i32
        %get3A_629 = arith.constant 0 : i32
        %get3A_630 = arith.constant 0 : i32
        %get3A_631 = tpu.memref_slice %run_scoped3A_15[%rem3A_239, %get3A_628, %get3A_629, %get3A_630] : memref<2x1x128x128xf32, #tpu.memory_space<vmem>> -> memref<1x1x128x128xf32, #tpu.memory_space<vmem>>
        %get3A_632 = tpu.memref_squeeze %get3A_631 : memref<1x1x128x128xf32, #tpu.memory_space<vmem>> -> memref<1x128x128xf32, #tpu.memory_space<vmem>>
        %get3A_633 = arith.index_cast %get3A_626 : i32 to index
        %get3A_634 = arith.index_cast %get3A_627 : i32 to index
        %get3A_635 = arith.constant 112 : index
        %get3A_636 = tpu.vector_load %get3A_632[%get3A_633, %get3A_634, %get3A_635] {strides = array<i32>} : memref<1x128x128xf32, #tpu.memory_space<vmem>>, vector<1x1x16xf32>,
        %get3A_637 = vector.shape_cast %get3A_636 : vector<1x1x16xf32> to vector<16xf32>
        %sub3A_638 = arith.subf %get3A_625, %get3A_637 : vector<16xf32>
        %broadcast_in_dim3A_639 = arith.constant 0.000000e+00 : f32
        %broadcast_in_dim3A_640 = vector.broadcast %broadcast_in_dim3A_639 : f32 to vector<16xf32>
        %broadcast_in_dim3A_641 = arith.constant 0.000000e+00 : f32
        %broadcast_in_dim3A_642 = vector.broadcast %broadcast_in_dim3A_641 : f32 to vector<16xf32>
        %broadcast_in_dim3A_643 = arith.constant 0.000000e+00 : f32
        %broadcast_in_dim3A_644 = vector.broadcast %broadcast_in_dim3A_643 : f32 to vector<16xf32>
        %broadcast_in_dim3A_645 = arith.constant 0.000000e+00 : f32
        %broadcast_in_dim3A_646 = vector.broadcast %broadcast_in_dim3A_645 : f32 to vector<16xf32>
        %broadcast_in_dim3A_647 = arith.constant 0.000000e+00 : f32
        %broadcast_in_dim3A_648 = vector.broadcast %broadcast_in_dim3A_647 : f32 to vector<16xf32>
        %broadcast_in_dim3A_649 = arith.constant 0.000000e+00 : f32
        %broadcast_in_dim3A_650 = vector.broadcast %broadcast_in_dim3A_649 : f32 to vector<16xf32>
        %broadcast_in_dim3A_651 = arith.constant 0.000000e+00 : f32
        %broadcast_in_dim3A_652 = vector.broadcast %broadcast_in_dim3A_651 : f32 to vector<16xf32>
        %broadcast_in_dim3A_653 = arith.constant 0.000000e+00 : f32
        %broadcast_in_dim3A_654 = vector.broadcast %broadcast_in_dim3A_653 : f32 to vector<16xf32>
        %scan3A_655 = arith.constant 2 : i32
        %scan3A_656 = arith.constant 126 : i32
        %scan3A_657 = arith.addi %scan3A_655, %scan3A_656 : i32
        %scan3A_658 = arith.constant 3 : i32
        %scan3A_659:24 = scf.for %scan3A_841 = %scan3A_655 to %scan3A_657 step %scan3A_658 iter_args(%scan3A_842 = %sub3A_263, %scan3A_843 = %sub3A_288, %scan3A_844 = %sub3A_313, %scan3A_845 = %sub3A_338, %scan3A_846 = %sub3A_363, %scan3A_847 = %sub3A_388, %scan3A_848 = %sub3A_413, %scan3A_849 = %sub3A_438, %scan3A_850 = %sub3A_463, %scan3A_851 = %sub3A_488, %scan3A_852 = %sub3A_513, %scan3A_853 = %sub3A_538, %scan3A_854 = %sub3A_563, %scan3A_855 = %sub3A_588, %scan3A_856 = %sub3A_613, %scan3A_857 = %sub3A_638, %scan3A_858 = %broadcast_in_dim3A_640, %scan3A_859 = %broadcast_in_dim3A_642, %scan3A_860 = %broadcast_in_dim3A_644, %scan3A_861 = %broadcast_in_dim3A_646, %scan3A_862 = %broadcast_in_dim3A_648, %scan3A_863 = %broadcast_in_dim3A_650, %scan3A_864 = %broadcast_in_dim3A_652, %scan3A_865 = %broadcast_in_dim3A_654) -> (vector<16xf32>, vector<16xf32>, vector<16xf32>, vector<16xf32>, vector<16xf32>, vector<16xf32>, vector<16xf32>, vector<16xf32>, vector<16xf32>, vector<16xf32>, vector<16xf32>, vector<16xf32>, vector<16xf32>, vector<16xf32>, vector<16xf32>, vector<16xf32>, vector<16xf32>, vector<16xf32>, vector<16xf32>, vector<16xf32>, vector<16xf32>, vector<16xf32>, vector<16xf32>, vector<16xf32>)  : i32 {
          %get3A_866 = arith.constant 0 : i32
          %get3A_867 = arith.constant 0 : i32
          %get3A_868 = arith.constant 0 : i32
          %get3A_869 = arith.constant 0 : i32
          %get3A_870 = tpu.memref_slice %run_scoped3A[%rem3A_237, %get3A_867, %get3A_868, %get3A_869] : memref<2x1x128x128xf32, #tpu.memory_space<vmem>> -> memref<1x1x128x128xf32, #tpu.memory_space<vmem>>
          %get3A_871 = tpu.memref_squeeze %get3A_870 : memref<1x1x128x128xf32, #tpu.memory_space<vmem>> -> memref<1x128x128xf32, #tpu.memory_space<vmem>>
          %get3A_872 = arith.index_cast %get3A_866 : i32 to index
          %get3A_873 = arith.index_cast %scan3A_841 : i32 to index
          %get3A_874 = arith.constant 0 : index
          %get3A_875 = tpu.vector_load %get3A_871[%get3A_872, %get3A_873, %get3A_874] {strides = array<i32>} : memref<1x128x128xf32, #tpu.memory_space<vmem>>, vector<1x1x16xf32>,
          %get3A_876 = vector.shape_cast %get3A_875 : vector<1x1x16xf32> to vector<16xf32>
          %get3A_877 = arith.constant 0 : i32
          %get3A_878 = arith.constant 0 : i32
          %get3A_879 = arith.constant 0 : i32
          %get3A_880 = arith.constant 0 : i32
          %get3A_881 = tpu.memref_slice %run_scoped3A_15[%rem3A_239, %get3A_878, %get3A_879, %get3A_880] : memref<2x1x128x128xf32, #tpu.memory_space<vmem>> -> memref<1x1x128x128xf32, #tpu.memory_space<vmem>>
          %get3A_882 = tpu.memref_squeeze %get3A_881 : memref<1x1x128x128xf32, #tpu.memory_space<vmem>> -> memref<1x128x128xf32, #tpu.memory_space<vmem>>
          %get3A_883 = arith.index_cast %get3A_877 : i32 to index
          %get3A_884 = arith.index_cast %scan3A_841 : i32 to index
          %get3A_885 = arith.constant 0 : index
          %get3A_886 = tpu.vector_load %get3A_882[%get3A_883, %get3A_884, %get3A_885] {strides = array<i32>} : memref<1x128x128xf32, #tpu.memory_space<vmem>>, vector<1x1x16xf32>,
          %get3A_887 = vector.shape_cast %get3A_886 : vector<1x1x16xf32> to vector<16xf32>
          %sub3A_888 = arith.subf %get3A_876, %get3A_887 : vector<16xf32>
          %get3A_889 = arith.constant 0 : i32
          %get3A_890 = arith.constant 0 : i32
          %get3A_891 = arith.constant 0 : i32
          %get3A_892 = arith.constant 0 : i32
          %get3A_893 = tpu.memref_slice %run_scoped3A[%rem3A_237, %get3A_890, %get3A_891, %get3A_892] : memref<2x1x128x128xf32, #tpu.memory_space<vmem>> -> memref<1x1x128x128xf32, #tpu.memory_space<vmem>>
          %get3A_894 = tpu.memref_squeeze %get3A_893 : memref<1x1x128x128xf32, #tpu.memory_space<vmem>> -> memref<1x128x128xf32, #tpu.memory_space<vmem>>
          %get3A_895 = arith.index_cast %get3A_889 : i32 to index
          %get3A_896 = arith.index_cast %scan3A_841 : i32 to index
          %get3A_897 = arith.constant 16 : index
          %get3A_898 = tpu.vector_load %get3A_894[%get3A_895, %get3A_896, %get3A_897] {strides = array<i32>} : memref<1x128x128xf32, #tpu.memory_space<vmem>>, vector<1x1x16xf32>,
          %get3A_899 = vector.shape_cast %get3A_898 : vector<1x1x16xf32> to vector<16xf32>
          %get3A_900 = arith.constant 0 : i32
          %get3A_901 = arith.constant 0 : i32
          %get3A_902 = arith.constant 0 : i32
          %get3A_903 = arith.constant 0 : i32
          %get3A_904 = tpu.memref_slice %run_scoped3A_15[%rem3A_239, %get3A_901, %get3A_902, %get3A_903] : memref<2x1x128x128xf32, #tpu.memory_space<vmem>> -> memref<1x1x128x128xf32, #tpu.memory_space<vmem>>
          %get3A_905 = tpu.memref_squeeze %get3A_904 : memref<1x1x128x128xf32, #tpu.memory_space<vmem>> -> memref<1x128x128xf32, #tpu.memory_space<vmem>>
          %get3A_906 = arith.index_cast %get3A_900 : i32 to index
          %get3A_907 = arith.index_cast %scan3A_841 : i32 to index
          %get3A_908 = arith.constant 16 : index
          %get3A_909 = tpu.vector_load %get3A_905[%get3A_906, %get3A_907, %get3A_908] {strides = array<i32>} : memref<1x128x128xf32, #tpu.memory_space<vmem>>, vector<1x1x16xf32>,
          %get3A_910 = vector.shape_cast %get3A_909 : vector<1x1x16xf32> to vector<16xf32>
          %sub3A_911 = arith.subf %get3A_899, %get3A_910 : vector<16xf32>
          %get3A_912 = arith.constant 0 : i32
          %get3A_913 = arith.constant 0 : i32
          %get3A_914 = arith.constant 0 : i32
          %get3A_915 = arith.constant 0 : i32
          %get3A_916 = tpu.memref_slice %run_scoped3A[%rem3A_237, %get3A_913, %get3A_914, %get3A_915] : memref<2x1x128x128xf32, #tpu.memory_space<vmem>> -> memref<1x1x128x128xf32, #tpu.memory_space<vmem>>
          %get3A_917 = tpu.memref_squeeze %get3A_916 : memref<1x1x128x128xf32, #tpu.memory_space<vmem>> -> memref<1x128x128xf32, #tpu.memory_space<vmem>>
          %get3A_918 = arith.index_cast %get3A_912 : i32 to index
          %get3A_919 = arith.index_cast %scan3A_841 : i32 to index
          %get3A_920 = arith.constant 32 : index
          %get3A_921 = tpu.vector_load %get3A_917[%get3A_918, %get3A_919, %get3A_920] {strides = array<i32>} : memref<1x128x128xf32, #tpu.memory_space<vmem>>, vector<1x1x16xf32>,
          %get3A_922 = vector.shape_cast %get3A_921 : vector<1x1x16xf32> to vector<16xf32>
          %get3A_923 = arith.constant 0 : i32
          %get3A_924 = arith.constant 0 : i32
          %get3A_925 = arith.constant 0 : i32
          %get3A_926 = arith.constant 0 : i32
          %get3A_927 = tpu.memref_slice %run_scoped3A_15[%rem3A_239, %get3A_924, %get3A_925, %get3A_926] : memref<2x1x128x128xf32, #tpu.memory_space<vmem>> -> memref<1x1x128x128xf32, #tpu.memory_space<vmem>>
          %get3A_928 = tpu.memref_squeeze %get3A_927 : memref<1x1x128x128xf32, #tpu.memory_space<vmem>> -> memref<1x128x128xf32, #tpu.memory_space<vmem>>
          %get3A_929 = arith.index_cast %get3A_923 : i32 to index
          %get3A_930 = arith.index_cast %scan3A_841 : i32 to index
          %get3A_931 = arith.constant 32 : index
          %get3A_932 = tpu.vector_load %get3A_928[%get3A_929, %get3A_930, %get3A_931] {strides = array<i32>} : memref<1x128x128xf32, #tpu.memory_space<vmem>>, vector<1x1x16xf32>,
          %get3A_933 = vector.shape_cast %get3A_932 : vector<1x1x16xf32> to vector<16xf32>
          %sub3A_934 = arith.subf %get3A_922, %get3A_933 : vector<16xf32>
          %get3A_935 = arith.constant 0 : i32
          %get3A_936 = arith.constant 0 : i32
          %get3A_937 = arith.constant 0 : i32
          %get3A_938 = arith.constant 0 : i32
          %get3A_939 = tpu.memref_slice %run_scoped3A[%rem3A_237, %get3A_936, %get3A_937, %get3A_938] : memref<2x1x128x128xf32, #tpu.memory_space<vmem>> -> memref<1x1x128x128xf32, #tpu.memory_space<vmem>>
          %get3A_940 = tpu.memref_squeeze %get3A_939 : memref<1x1x128x128xf32, #tpu.memory_space<vmem>> -> memref<1x128x128xf32, #tpu.memory_space<vmem>>
          %get3A_941 = arith.index_cast %get3A_935 : i32 to index
          %get3A_942 = arith.index_cast %scan3A_841 : i32 to index
          %get3A_943 = arith.constant 48 : index
          %get3A_944 = tpu.vector_load %get3A_940[%get3A_941, %get3A_942, %get3A_943] {strides = array<i32>} : memref<1x128x128xf32, #tpu.memory_space<vmem>>, vector<1x1x16xf32>,
          %get3A_945 = vector.shape_cast %get3A_944 : vector<1x1x16xf32> to vector<16xf32>
          %get3A_946 = arith.constant 0 : i32
          %get3A_947 = arith.constant 0 : i32
          %get3A_948 = arith.constant 0 : i32
          %get3A_949 = arith.constant 0 : i32
          %get3A_950 = tpu.memref_slice %run_scoped3A_15[%rem3A_239, %get3A_947, %get3A_948, %get3A_949] : memref<2x1x128x128xf32, #tpu.memory_space<vmem>> -> memref<1x1x128x128xf32, #tpu.memory_space<vmem>>
          %get3A_951 = tpu.memref_squeeze %get3A_950 : memref<1x1x128x128xf32, #tpu.memory_space<vmem>> -> memref<1x128x128xf32, #tpu.memory_space<vmem>>
          %get3A_952 = arith.index_cast %get3A_946 : i32 to index
          %get3A_953 = arith.index_cast %scan3A_841 : i32 to index
          %get3A_954 = arith.constant 48 : index
          %get3A_955 = tpu.vector_load %get3A_951[%get3A_952, %get3A_953, %get3A_954] {strides = array<i32>} : memref<1x128x128xf32, #tpu.memory_space<vmem>>, vector<1x1x16xf32>,
          %get3A_956 = vector.shape_cast %get3A_955 : vector<1x1x16xf32> to vector<16xf32>
          %sub3A_957 = arith.subf %get3A_945, %get3A_956 : vector<16xf32>
          %get3A_958 = arith.constant 0 : i32
          %get3A_959 = arith.constant 0 : i32
          %get3A_960 = arith.constant 0 : i32
          %get3A_961 = arith.constant 0 : i32
          %get3A_962 = tpu.memref_slice %run_scoped3A[%rem3A_237, %get3A_959, %get3A_960, %get3A_961] : memref<2x1x128x128xf32, #tpu.memory_space<vmem>> -> memref<1x1x128x128xf32, #tpu.memory_space<vmem>>
          %get3A_963 = tpu.memref_squeeze %get3A_962 : memref<1x1x128x128xf32, #tpu.memory_space<vmem>> -> memref<1x128x128xf32, #tpu.memory_space<vmem>>
          %get3A_964 = arith.index_cast %get3A_958 : i32 to index
          %get3A_965 = arith.index_cast %scan3A_841 : i32 to index
          %get3A_966 = arith.constant 64 : index
          %get3A_967 = tpu.vector_load %get3A_963[%get3A_964, %get3A_965, %get3A_966] {strides = array<i32>} : memref<1x128x128xf32, #tpu.memory_space<vmem>>, vector<1x1x16xf32>,
          %get3A_968 = vector.shape_cast %get3A_967 : vector<1x1x16xf32> to vector<16xf32>
          %get3A_969 = arith.constant 0 : i32
          %get3A_970 = arith.constant 0 : i32
          %get3A_971 = arith.constant 0 : i32
          %get3A_972 = arith.constant 0 : i32
          %get3A_973 = tpu.memref_slice %run_scoped3A_15[%rem3A_239, %get3A_970, %get3A_971, %get3A_972] : memref<2x1x128x128xf32, #tpu.memory_space<vmem>> -> memref<1x1x128x128xf32, #tpu.memory_space<vmem>>
          %get3A_974 = tpu.memref_squeeze %get3A_973 : memref<1x1x128x128xf32, #tpu.memory_space<vmem>> -> memref<1x128x128xf32, #tpu.memory_space<vmem>>
          %get3A_975 = arith.index_cast %get3A_969 : i32 to index
          %get3A_976 = arith.index_cast %scan3A_841 : i32 to index
          %get3A_977 = arith.constant 64 : index
          %get3A_978 = tpu.vector_load %get3A_974[%get3A_975, %get3A_976, %get3A_977] {strides = array<i32>} : memref<1x128x128xf32, #tpu.memory_space<vmem>>, vector<1x1x16xf32>,
          %get3A_979 = vector.shape_cast %get3A_978 : vector<1x1x16xf32> to vector<16xf32>
          %sub3A_980 = arith.subf %get3A_968, %get3A_979 : vector<16xf32>
          %get3A_981 = arith.constant 0 : i32
          %get3A_982 = arith.constant 0 : i32
          %get3A_983 = arith.constant 0 : i32
          %get3A_984 = arith.constant 0 : i32
          %get3A_985 = tpu.memref_slice %run_scoped3A[%rem3A_237, %get3A_982, %get3A_983, %get3A_984] : memref<2x1x128x128xf32, #tpu.memory_space<vmem>> -> memref<1x1x128x128xf32, #tpu.memory_space<vmem>>
          %get3A_986 = tpu.memref_squeeze %get3A_985 : memref<1x1x128x128xf32, #tpu.memory_space<vmem>> -> memref<1x128x128xf32, #tpu.memory_space<vmem>>
          %get3A_987 = arith.index_cast %get3A_981 : i32 to index
          %get3A_988 = arith.index_cast %scan3A_841 : i32 to index
          %get3A_989 = arith.constant 80 : index
          %get3A_990 = tpu.vector_load %get3A_986[%get3A_987, %get3A_988, %get3A_989] {strides = array<i32>} : memref<1x128x128xf32, #tpu.memory_space<vmem>>, vector<1x1x16xf32>,
          %get3A_991 = vector.shape_cast %get3A_990 : vector<1x1x16xf32> to vector<16xf32>
          %get3A_992 = arith.constant 0 : i32
          %get3A_993 = arith.constant 0 : i32
          %get3A_994 = arith.constant 0 : i32
          %get3A_995 = arith.constant 0 : i32
          %get3A_996 = tpu.memref_slice %run_scoped3A_15[%rem3A_239, %get3A_993, %get3A_994, %get3A_995] : memref<2x1x128x128xf32, #tpu.memory_space<vmem>> -> memref<1x1x128x128xf32, #tpu.memory_space<vmem>>
          %get3A_997 = tpu.memref_squeeze %get3A_996 : memref<1x1x128x128xf32, #tpu.memory_space<vmem>> -> memref<1x128x128xf32, #tpu.memory_space<vmem>>
          %get3A_998 = arith.index_cast %get3A_992 : i32 to index
          %get3A_999 = arith.index_cast %scan3A_841 : i32 to index
          %get3A_1000 = arith.constant 80 : index
          %get3A_1001 = tpu.vector_load %get3A_997[%get3A_998, %get3A_999, %get3A_1000] {strides = array<i32>} : memref<1x128x128xf32, #tpu.memory_space<vmem>>, vector<1x1x16xf32>,
          %get3A_1002 = vector.shape_cast %get3A_1001 : vector<1x1x16xf32> to vector<16xf32>
          %sub3A_1003 = arith.subf %get3A_991, %get3A_1002 : vector<16xf32>
          %get3A_1004 = arith.constant 0 : i32
          %get3A_1005 = arith.constant 0 : i32
          %get3A_1006 = arith.constant 0 : i32
          %get3A_1007 = arith.constant 0 : i32
          %get3A_1008 = tpu.memref_slice %run_scoped3A[%rem3A_237, %get3A_1005, %get3A_1006, %get3A_1007] : memref<2x1x128x128xf32, #tpu.memory_space<vmem>> -> memref<1x1x128x128xf32, #tpu.memory_space<vmem>>
          %get3A_1009 = tpu.memref_squeeze %get3A_1008 : memref<1x1x128x128xf32, #tpu.memory_space<vmem>> -> memref<1x128x128xf32, #tpu.memory_space<vmem>>
          %get3A_1010 = arith.index_cast %get3A_1004 : i32 to index
          %get3A_1011 = arith.index_cast %scan3A_841 : i32 to index
          %get3A_1012 = arith.constant 96 : index
          %get3A_1013 = tpu.vector_load %get3A_1009[%get3A_1010, %get3A_1011, %get3A_1012] {strides = array<i32>} : memref<1x128x128xf32, #tpu.memory_space<vmem>>, vector<1x1x16xf32>,
          %get3A_1014 = vector.shape_cast %get3A_1013 : vector<1x1x16xf32> to vector<16xf32>
          %get3A_1015 = arith.constant 0 : i32
          %get3A_1016 = arith.constant 0 : i32
          %get3A_1017 = arith.constant 0 : i32
          %get3A_1018 = arith.constant 0 : i32
          %get3A_1019 = tpu.memref_slice %run_scoped3A_15[%rem3A_239, %get3A_1016, %get3A_1017, %get3A_1018] : memref<2x1x128x128xf32, #tpu.memory_space<vmem>> -> memref<1x1x128x128xf32, #tpu.memory_space<vmem>>
          %get3A_1020 = tpu.memref_squeeze %get3A_1019 : memref<1x1x128x128xf32, #tpu.memory_space<vmem>> -> memref<1x128x128xf32, #tpu.memory_space<vmem>>
          %get3A_1021 = arith.index_cast %get3A_1015 : i32 to index
          %get3A_1022 = arith.index_cast %scan3A_841 : i32 to index
          %get3A_1023 = arith.constant 96 : index
          %get3A_1024 = tpu.vector_load %get3A_1020[%get3A_1021, %get3A_1022, %get3A_1023] {strides = array<i32>} : memref<1x128x128xf32, #tpu.memory_space<vmem>>, vector<1x1x16xf32>,
          %get3A_1025 = vector.shape_cast %get3A_1024 : vector<1x1x16xf32> to vector<16xf32>
          %sub3A_1026 = arith.subf %get3A_1014, %get3A_1025 : vector<16xf32>
          %get3A_1027 = arith.constant 0 : i32
          %get3A_1028 = arith.constant 0 : i32
          %get3A_1029 = arith.constant 0 : i32
          %get3A_1030 = arith.constant 0 : i32
          %get3A_1031 = tpu.memref_slice %run_scoped3A[%rem3A_237, %get3A_1028, %get3A_1029, %get3A_1030] : memref<2x1x128x128xf32, #tpu.memory_space<vmem>> -> memref<1x1x128x128xf32, #tpu.memory_space<vmem>>
          %get3A_1032 = tpu.memref_squeeze %get3A_1031 : memref<1x1x128x128xf32, #tpu.memory_space<vmem>> -> memref<1x128x128xf32, #tpu.memory_space<vmem>>
          %get3A_1033 = arith.index_cast %get3A_1027 : i32 to index
          %get3A_1034 = arith.index_cast %scan3A_841 : i32 to index
          %get3A_1035 = arith.constant 112 : index
          %get3A_1036 = tpu.vector_load %get3A_1032[%get3A_1033, %get3A_1034, %get3A_1035] {strides = array<i32>} : memref<1x128x128xf32, #tpu.memory_space<vmem>>, vector<1x1x16xf32>,
          %get3A_1037 = vector.shape_cast %get3A_1036 : vector<1x1x16xf32> to vector<16xf32>
          %get3A_1038 = arith.constant 0 : i32
          %get3A_1039 = arith.constant 0 : i32
          %get3A_1040 = arith.constant 0 : i32
          %get3A_1041 = arith.constant 0 : i32
          %get3A_1042 = tpu.memref_slice %run_scoped3A_15[%rem3A_239, %get3A_1039, %get3A_1040, %get3A_1041] : memref<2x1x128x128xf32, #tpu.memory_space<vmem>> -> memref<1x1x128x128xf32, #tpu.memory_space<vmem>>
          %get3A_1043 = tpu.memref_squeeze %get3A_1042 : memref<1x1x128x128xf32, #tpu.memory_space<vmem>> -> memref<1x128x128xf32, #tpu.memory_space<vmem>>
          %get3A_1044 = arith.index_cast %get3A_1038 : i32 to index
          %get3A_1045 = arith.index_cast %scan3A_841 : i32 to index
          %get3A_1046 = arith.constant 112 : index
          %get3A_1047 = tpu.vector_load %get3A_1043[%get3A_1044, %get3A_1045, %get3A_1046] {strides = array<i32>} : memref<1x128x128xf32, #tpu.memory_space<vmem>>, vector<1x1x16xf32>,
          %get3A_1048 = vector.shape_cast %get3A_1047 : vector<1x1x16xf32> to vector<16xf32>
          %sub3A_1049 = arith.subf %get3A_1037, %get3A_1048 : vector<16xf32>
          %add3A_1050 = arith.addf %scan3A_850, %scan3A_850 : vector<16xf32>
          %add3A_1051 = arith.addf %scan3A_842, %sub3A_888 : vector<16xf32>
          %sub3A_1052 = arith.subf %add3A_1050, %add3A_1051 : vector<16xf32>
          %abs3A_1053 = math.absf %sub3A_1052 : vector<16xf32>
          %add3A_1054 = arith.addf %scan3A_858, %abs3A_1053 : vector<16xf32>
          %add3A_1055 = arith.addf %scan3A_851, %scan3A_851 : vector<16xf32>
          %add3A_1056 = arith.addf %scan3A_843, %sub3A_911 : vector<16xf32>
          %sub3A_1057 = arith.subf %add3A_1055, %add3A_1056 : vector<16xf32>
          %abs3A_1058 = math.absf %sub3A_1057 : vector<16xf32>
          %add3A_1059 = arith.addf %scan3A_859, %abs3A_1058 : vector<16xf32>
          %add3A_1060 = arith.addf %scan3A_852, %scan3A_852 : vector<16xf32>
          %add3A_1061 = arith.addf %scan3A_844, %sub3A_934 : vector<16xf32>
          %sub3A_1062 = arith.subf %add3A_1060, %add3A_1061 : vector<16xf32>
          %abs3A_1063 = math.absf %sub3A_1062 : vector<16xf32>
          %add3A_1064 = arith.addf %scan3A_860, %abs3A_1063 : vector<16xf32>
          %add3A_1065 = arith.addf %scan3A_853, %scan3A_853 : vector<16xf32>
          %add3A_1066 = arith.addf %scan3A_845, %sub3A_957 : vector<16xf32>
          %sub3A_1067 = arith.subf %add3A_1065, %add3A_1066 : vector<16xf32>
          %abs3A_1068 = math.absf %sub3A_1067 : vector<16xf32>
          %add3A_1069 = arith.addf %scan3A_861, %abs3A_1068 : vector<16xf32>
          %add3A_1070 = arith.addf %scan3A_854, %scan3A_854 : vector<16xf32>
          %add3A_1071 = arith.addf %scan3A_846, %sub3A_980 : vector<16xf32>
          %sub3A_1072 = arith.subf %add3A_1070, %add3A_1071 : vector<16xf32>
          %abs3A_1073 = math.absf %sub3A_1072 : vector<16xf32>
          %add3A_1074 = arith.addf %scan3A_862, %abs3A_1073 : vector<16xf32>
          %add3A_1075 = arith.addf %scan3A_855, %scan3A_855 : vector<16xf32>
          %add3A_1076 = arith.addf %scan3A_847, %sub3A_1003 : vector<16xf32>
          %sub3A_1077 = arith.subf %add3A_1075, %add3A_1076 : vector<16xf32>
          %abs3A_1078 = math.absf %sub3A_1077 : vector<16xf32>
          %add3A_1079 = arith.addf %scan3A_863, %abs3A_1078 : vector<16xf32>
          %add3A_1080 = arith.addf %scan3A_856, %scan3A_856 : vector<16xf32>
          %add3A_1081 = arith.addf %scan3A_848, %sub3A_1026 : vector<16xf32>
          %sub3A_1082 = arith.subf %add3A_1080, %add3A_1081 : vector<16xf32>
          %abs3A_1083 = math.absf %sub3A_1082 : vector<16xf32>
          %add3A_1084 = arith.addf %scan3A_864, %abs3A_1083 : vector<16xf32>
          %add3A_1085 = arith.addf %scan3A_857, %scan3A_857 : vector<16xf32>
          %add3A_1086 = arith.addf %scan3A_849, %sub3A_1049 : vector<16xf32>
          %sub3A_1087 = arith.subf %add3A_1085, %add3A_1086 : vector<16xf32>
          %abs3A_1088 = math.absf %sub3A_1087 : vector<16xf32>
          %add3A_1089 = arith.addf %scan3A_865, %abs3A_1088 : vector<16xf32>
          %scan3A_1090 = arith.constant 1 : i32
          %scan3A_1091 = arith.addi %scan3A_841, %scan3A_1090 : i32
          %get3A_1092 = arith.constant 0 : i32
          %get3A_1093 = arith.constant 0 : i32
          %get3A_1094 = arith.constant 0 : i32
          %get3A_1095 = arith.constant 0 : i32
          %get3A_1096 = tpu.memref_slice %run_scoped3A[%rem3A_237, %get3A_1093, %get3A_1094, %get3A_1095] : memref<2x1x128x128xf32, #tpu.memory_space<vmem>> -> memref<1x1x128x128xf32, #tpu.memory_space<vmem>>
          %get3A_1097 = tpu.memref_squeeze %get3A_1096 : memref<1x1x128x128xf32, #tpu.memory_space<vmem>> -> memref<1x128x128xf32, #tpu.memory_space<vmem>>
          %get3A_1098 = arith.index_cast %get3A_1092 : i32 to index
          %get3A_1099 = arith.index_cast %scan3A_1091 : i32 to index
          %get3A_1100 = arith.constant 0 : index
          %get3A_1101 = tpu.vector_load %get3A_1097[%get3A_1098, %get3A_1099, %get3A_1100] {strides = array<i32>} : memref<1x128x128xf32, #tpu.memory_space<vmem>>, vector<1x1x16xf32>,
          %get3A_1102 = vector.shape_cast %get3A_1101 : vector<1x1x16xf32> to vector<16xf32>
          %get3A_1103 = arith.constant 0 : i32
          %get3A_1104 = arith.constant 0 : i32
          %get3A_1105 = arith.constant 0 : i32
          %get3A_1106 = arith.constant 0 : i32
          %get3A_1107 = tpu.memref_slice %run_scoped3A_15[%rem3A_239, %get3A_1104, %get3A_1105, %get3A_1106] : memref<2x1x128x128xf32, #tpu.memory_space<vmem>> -> memref<1x1x128x128xf32, #tpu.memory_space<vmem>>
          %get3A_1108 = tpu.memref_squeeze %get3A_1107 : memref<1x1x128x128xf32, #tpu.memory_space<vmem>> -> memref<1x128x128xf32, #tpu.memory_space<vmem>>
          %get3A_1109 = arith.index_cast %get3A_1103 : i32 to index
          %get3A_1110 = arith.index_cast %scan3A_1091 : i32 to index
          %get3A_1111 = arith.constant 0 : index
          %get3A_1112 = tpu.vector_load %get3A_1108[%get3A_1109, %get3A_1110, %get3A_1111] {strides = array<i32>} : memref<1x128x128xf32, #tpu.memory_space<vmem>>, vector<1x1x16xf32>,
          %get3A_1113 = vector.shape_cast %get3A_1112 : vector<1x1x16xf32> to vector<16xf32>
          %sub3A_1114 = arith.subf %get3A_1102, %get3A_1113 : vector<16xf32>
          %get3A_1115 = arith.constant 0 : i32
          %get3A_1116 = arith.constant 0 : i32
          %get3A_1117 = arith.constant 0 : i32
          %get3A_1118 = arith.constant 0 : i32
          %get3A_1119 = tpu.memref_slice %run_scoped3A[%rem3A_237, %get3A_1116, %get3A_1117, %get3A_1118] : memref<2x1x128x128xf32, #tpu.memory_space<vmem>> -> memref<1x1x128x128xf32, #tpu.memory_space<vmem>>
          %get3A_1120 = tpu.memref_squeeze %get3A_1119 : memref<1x1x128x128xf32, #tpu.memory_space<vmem>> -> memref<1x128x128xf32, #tpu.memory_space<vmem>>
          %get3A_1121 = arith.index_cast %get3A_1115 : i32 to index
          %get3A_1122 = arith.index_cast %scan3A_1091 : i32 to index
          %get3A_1123 = arith.constant 16 : index
          %get3A_1124 = tpu.vector_load %get3A_1120[%get3A_1121, %get3A_1122, %get3A_1123] {strides = array<i32>} : memref<1x128x128xf32, #tpu.memory_space<vmem>>, vector<1x1x16xf32>,
          %get3A_1125 = vector.shape_cast %get3A_1124 : vector<1x1x16xf32> to vector<16xf32>
          %get3A_1126 = arith.constant 0 : i32
          %get3A_1127 = arith.constant 0 : i32
          %get3A_1128 = arith.constant 0 : i32
          %get3A_1129 = arith.constant 0 : i32
          %get3A_1130 = tpu.memref_slice %run_scoped3A_15[%rem3A_239, %get3A_1127, %get3A_1128, %get3A_1129] : memref<2x1x128x128xf32, #tpu.memory_space<vmem>> -> memref<1x1x128x128xf32, #tpu.memory_space<vmem>>
          %get3A_1131 = tpu.memref_squeeze %get3A_1130 : memref<1x1x128x128xf32, #tpu.memory_space<vmem>> -> memref<1x128x128xf32, #tpu.memory_space<vmem>>
          %get3A_1132 = arith.index_cast %get3A_1126 : i32 to index
          %get3A_1133 = arith.index_cast %scan3A_1091 : i32 to index
          %get3A_1134 = arith.constant 16 : index
          %get3A_1135 = tpu.vector_load %get3A_1131[%get3A_1132, %get3A_1133, %get3A_1134] {strides = array<i32>} : memref<1x128x128xf32, #tpu.memory_space<vmem>>, vector<1x1x16xf32>,
          %get3A_1136 = vector.shape_cast %get3A_1135 : vector<1x1x16xf32> to vector<16xf32>
          %sub3A_1137 = arith.subf %get3A_1125, %get3A_1136 : vector<16xf32>
          %get3A_1138 = arith.constant 0 : i32
          %get3A_1139 = arith.constant 0 : i32
          %get3A_1140 = arith.constant 0 : i32
          %get3A_1141 = arith.constant 0 : i32
          %get3A_1142 = tpu.memref_slice %run_scoped3A[%rem3A_237, %get3A_1139, %get3A_1140, %get3A_1141] : memref<2x1x128x128xf32, #tpu.memory_space<vmem>> -> memref<1x1x128x128xf32, #tpu.memory_space<vmem>>
          %get3A_1143 = tpu.memref_squeeze %get3A_1142 : memref<1x1x128x128xf32, #tpu.memory_space<vmem>> -> memref<1x128x128xf32, #tpu.memory_space<vmem>>
          %get3A_1144 = arith.index_cast %get3A_1138 : i32 to index
          %get3A_1145 = arith.index_cast %scan3A_1091 : i32 to index
          %get3A_1146 = arith.constant 32 : index
          %get3A_1147 = tpu.vector_load %get3A_1143[%get3A_1144, %get3A_1145, %get3A_1146] {strides = array<i32>} : memref<1x128x128xf32, #tpu.memory_space<vmem>>, vector<1x1x16xf32>,
          %get3A_1148 = vector.shape_cast %get3A_1147 : vector<1x1x16xf32> to vector<16xf32>
          %get3A_1149 = arith.constant 0 : i32
          %get3A_1150 = arith.constant 0 : i32
          %get3A_1151 = arith.constant 0 : i32
          %get3A_1152 = arith.constant 0 : i32
          %get3A_1153 = tpu.memref_slice %run_scoped3A_15[%rem3A_239, %get3A_1150, %get3A_1151, %get3A_1152] : memref<2x1x128x128xf32, #tpu.memory_space<vmem>> -> memref<1x1x128x128xf32, #tpu.memory_space<vmem>>
          %get3A_1154 = tpu.memref_squeeze %get3A_1153 : memref<1x1x128x128xf32, #tpu.memory_space<vmem>> -> memref<1x128x128xf32, #tpu.memory_space<vmem>>
          %get3A_1155 = arith.index_cast %get3A_1149 : i32 to index
          %get3A_1156 = arith.index_cast %scan3A_1091 : i32 to index
          %get3A_1157 = arith.constant 32 : index
          %get3A_1158 = tpu.vector_load %get3A_1154[%get3A_1155, %get3A_1156, %get3A_1157] {strides = array<i32>} : memref<1x128x128xf32, #tpu.memory_space<vmem>>, vector<1x1x16xf32>,
          %get3A_1159 = vector.shape_cast %get3A_1158 : vector<1x1x16xf32> to vector<16xf32>
          %sub3A_1160 = arith.subf %get3A_1148, %get3A_1159 : vector<16xf32>
          %get3A_1161 = arith.constant 0 : i32
          %get3A_1162 = arith.constant 0 : i32
          %get3A_1163 = arith.constant 0 : i32
          %get3A_1164 = arith.constant 0 : i32
          %get3A_1165 = tpu.memref_slice %run_scoped3A[%rem3A_237, %get3A_1162, %get3A_1163, %get3A_1164] : memref<2x1x128x128xf32, #tpu.memory_space<vmem>> -> memref<1x1x128x128xf32, #tpu.memory_space<vmem>>
          %get3A_1166 = tpu.memref_squeeze %get3A_1165 : memref<1x1x128x128xf32, #tpu.memory_space<vmem>> -> memref<1x128x128xf32, #tpu.memory_space<vmem>>
          %get3A_1167 = arith.index_cast %get3A_1161 : i32 to index
          %get3A_1168 = arith.index_cast %scan3A_1091 : i32 to index
          %get3A_1169 = arith.constant 48 : index
          %get3A_1170 = tpu.vector_load %get3A_1166[%get3A_1167, %get3A_1168, %get3A_1169] {strides = array<i32>} : memref<1x128x128xf32, #tpu.memory_space<vmem>>, vector<1x1x16xf32>,
          %get3A_1171 = vector.shape_cast %get3A_1170 : vector<1x1x16xf32> to vector<16xf32>
          %get3A_1172 = arith.constant 0 : i32
          %get3A_1173 = arith.constant 0 : i32
          %get3A_1174 = arith.constant 0 : i32
          %get3A_1175 = arith.constant 0 : i32
          %get3A_1176 = tpu.memref_slice %run_scoped3A_15[%rem3A_239, %get3A_1173, %get3A_1174, %get3A_1175] : memref<2x1x128x128xf32, #tpu.memory_space<vmem>> -> memref<1x1x128x128xf32, #tpu.memory_space<vmem>>
          %get3A_1177 = tpu.memref_squeeze %get3A_1176 : memref<1x1x128x128xf32, #tpu.memory_space<vmem>> -> memref<1x128x128xf32, #tpu.memory_space<vmem>>
          %get3A_1178 = arith.index_cast %get3A_1172 : i32 to index
          %get3A_1179 = arith.index_cast %scan3A_1091 : i32 to index
          %get3A_1180 = arith.constant 48 : index
          %get3A_1181 = tpu.vector_load %get3A_1177[%get3A_1178, %get3A_1179, %get3A_1180] {strides = array<i32>} : memref<1x128x128xf32, #tpu.memory_space<vmem>>, vector<1x1x16xf32>,
          %get3A_1182 = vector.shape_cast %get3A_1181 : vector<1x1x16xf32> to vector<16xf32>
          %sub3A_1183 = arith.subf %get3A_1171, %get3A_1182 : vector<16xf32>
          %get3A_1184 = arith.constant 0 : i32
          %get3A_1185 = arith.constant 0 : i32
          %get3A_1186 = arith.constant 0 : i32
          %get3A_1187 = arith.constant 0 : i32
          %get3A_1188 = tpu.memref_slice %run_scoped3A[%rem3A_237, %get3A_1185, %get3A_1186, %get3A_1187] : memref<2x1x128x128xf32, #tpu.memory_space<vmem>> -> memref<1x1x128x128xf32, #tpu.memory_space<vmem>>
          %get3A_1189 = tpu.memref_squeeze %get3A_1188 : memref<1x1x128x128xf32, #tpu.memory_space<vmem>> -> memref<1x128x128xf32, #tpu.memory_space<vmem>>
          %get3A_1190 = arith.index_cast %get3A_1184 : i32 to index
          %get3A_1191 = arith.index_cast %scan3A_1091 : i32 to index
          %get3A_1192 = arith.constant 64 : index
          %get3A_1193 = tpu.vector_load %get3A_1189[%get3A_1190, %get3A_1191, %get3A_1192] {strides = array<i32>} : memref<1x128x128xf32, #tpu.memory_space<vmem>>, vector<1x1x16xf32>,
          %get3A_1194 = vector.shape_cast %get3A_1193 : vector<1x1x16xf32> to vector<16xf32>
          %get3A_1195 = arith.constant 0 : i32
          %get3A_1196 = arith.constant 0 : i32
          %get3A_1197 = arith.constant 0 : i32
          %get3A_1198 = arith.constant 0 : i32
          %get3A_1199 = tpu.memref_slice %run_scoped3A_15[%rem3A_239, %get3A_1196, %get3A_1197, %get3A_1198] : memref<2x1x128x128xf32, #tpu.memory_space<vmem>> -> memref<1x1x128x128xf32, #tpu.memory_space<vmem>>
          %get3A_1200 = tpu.memref_squeeze %get3A_1199 : memref<1x1x128x128xf32, #tpu.memory_space<vmem>> -> memref<1x128x128xf32, #tpu.memory_space<vmem>>
          %get3A_1201 = arith.index_cast %get3A_1195 : i32 to index
          %get3A_1202 = arith.index_cast %scan3A_1091 : i32 to index
          %get3A_1203 = arith.constant 64 : index
          %get3A_1204 = tpu.vector_load %get3A_1200[%get3A_1201, %get3A_1202, %get3A_1203] {strides = array<i32>} : memref<1x128x128xf32, #tpu.memory_space<vmem>>, vector<1x1x16xf32>,
          %get3A_1205 = vector.shape_cast %get3A_1204 : vector<1x1x16xf32> to vector<16xf32>
          %sub3A_1206 = arith.subf %get3A_1194, %get3A_1205 : vector<16xf32>
          %get3A_1207 = arith.constant 0 : i32
          %get3A_1208 = arith.constant 0 : i32
          %get3A_1209 = arith.constant 0 : i32
          %get3A_1210 = arith.constant 0 : i32
          %get3A_1211 = tpu.memref_slice %run_scoped3A[%rem3A_237, %get3A_1208, %get3A_1209, %get3A_1210] : memref<2x1x128x128xf32, #tpu.memory_space<vmem>> -> memref<1x1x128x128xf32, #tpu.memory_space<vmem>>
          %get3A_1212 = tpu.memref_squeeze %get3A_1211 : memref<1x1x128x128xf32, #tpu.memory_space<vmem>> -> memref<1x128x128xf32, #tpu.memory_space<vmem>>
          %get3A_1213 = arith.index_cast %get3A_1207 : i32 to index
          %get3A_1214 = arith.index_cast %scan3A_1091 : i32 to index
          %get3A_1215 = arith.constant 80 : index
          %get3A_1216 = tpu.vector_load %get3A_1212[%get3A_1213, %get3A_1214, %get3A_1215] {strides = array<i32>} : memref<1x128x128xf32, #tpu.memory_space<vmem>>, vector<1x1x16xf32>,
          %get3A_1217 = vector.shape_cast %get3A_1216 : vector<1x1x16xf32> to vector<16xf32>
          %get3A_1218 = arith.constant 0 : i32
          %get3A_1219 = arith.constant 0 : i32
          %get3A_1220 = arith.constant 0 : i32
          %get3A_1221 = arith.constant 0 : i32
          %get3A_1222 = tpu.memref_slice %run_scoped3A_15[%rem3A_239, %get3A_1219, %get3A_1220, %get3A_1221] : memref<2x1x128x128xf32, #tpu.memory_space<vmem>> -> memref<1x1x128x128xf32, #tpu.memory_space<vmem>>
          %get3A_1223 = tpu.memref_squeeze %get3A_1222 : memref<1x1x128x128xf32, #tpu.memory_space<vmem>> -> memref<1x128x128xf32, #tpu.memory_space<vmem>>
          %get3A_1224 = arith.index_cast %get3A_1218 : i32 to index
          %get3A_1225 = arith.index_cast %scan3A_1091 : i32 to index
          %get3A_1226 = arith.constant 80 : index
          %get3A_1227 = tpu.vector_load %get3A_1223[%get3A_1224, %get3A_1225, %get3A_1226] {strides = array<i32>} : memref<1x128x128xf32, #tpu.memory_space<vmem>>, vector<1x1x16xf32>,
          %get3A_1228 = vector.shape_cast %get3A_1227 : vector<1x1x16xf32> to vector<16xf32>
          %sub3A_1229 = arith.subf %get3A_1217, %get3A_1228 : vector<16xf32>
          %get3A_1230 = arith.constant 0 : i32
          %get3A_1231 = arith.constant 0 : i32
          %get3A_1232 = arith.constant 0 : i32
          %get3A_1233 = arith.constant 0 : i32
          %get3A_1234 = tpu.memref_slice %run_scoped3A[%rem3A_237, %get3A_1231, %get3A_1232, %get3A_1233] : memref<2x1x128x128xf32, #tpu.memory_space<vmem>> -> memref<1x1x128x128xf32, #tpu.memory_space<vmem>>
          %get3A_1235 = tpu.memref_squeeze %get3A_1234 : memref<1x1x128x128xf32, #tpu.memory_space<vmem>> -> memref<1x128x128xf32, #tpu.memory_space<vmem>>
          %get3A_1236 = arith.index_cast %get3A_1230 : i32 to index
          %get3A_1237 = arith.index_cast %scan3A_1091 : i32 to index
          %get3A_1238 = arith.constant 96 : index
          %get3A_1239 = tpu.vector_load %get3A_1235[%get3A_1236, %get3A_1237, %get3A_1238] {strides = array<i32>} : memref<1x128x128xf32, #tpu.memory_space<vmem>>, vector<1x1x16xf32>,
          %get3A_1240 = vector.shape_cast %get3A_1239 : vector<1x1x16xf32> to vector<16xf32>
          %get3A_1241 = arith.constant 0 : i32
          %get3A_1242 = arith.constant 0 : i32
          %get3A_1243 = arith.constant 0 : i32
          %get3A_1244 = arith.constant 0 : i32
          %get3A_1245 = tpu.memref_slice %run_scoped3A_15[%rem3A_239, %get3A_1242, %get3A_1243, %get3A_1244] : memref<2x1x128x128xf32, #tpu.memory_space<vmem>> -> memref<1x1x128x128xf32, #tpu.memory_space<vmem>>
          %get3A_1246 = tpu.memref_squeeze %get3A_1245 : memref<1x1x128x128xf32, #tpu.memory_space<vmem>> -> memref<1x128x128xf32, #tpu.memory_space<vmem>>
          %get3A_1247 = arith.index_cast %get3A_1241 : i32 to index
          %get3A_1248 = arith.index_cast %scan3A_1091 : i32 to index
          %get3A_1249 = arith.constant 96 : index
          %get3A_1250 = tpu.vector_load %get3A_1246[%get3A_1247, %get3A_1248, %get3A_1249] {strides = array<i32>} : memref<1x128x128xf32, #tpu.memory_space<vmem>>, vector<1x1x16xf32>,
          %get3A_1251 = vector.shape_cast %get3A_1250 : vector<1x1x16xf32> to vector<16xf32>
          %sub3A_1252 = arith.subf %get3A_1240, %get3A_1251 : vector<16xf32>
          %get3A_1253 = arith.constant 0 : i32
          %get3A_1254 = arith.constant 0 : i32
          %get3A_1255 = arith.constant 0 : i32
          %get3A_1256 = arith.constant 0 : i32
          %get3A_1257 = tpu.memref_slice %run_scoped3A[%rem3A_237, %get3A_1254, %get3A_1255, %get3A_1256] : memref<2x1x128x128xf32, #tpu.memory_space<vmem>> -> memref<1x1x128x128xf32, #tpu.memory_space<vmem>>
          %get3A_1258 = tpu.memref_squeeze %get3A_1257 : memref<1x1x128x128xf32, #tpu.memory_space<vmem>> -> memref<1x128x128xf32, #tpu.memory_space<vmem>>
          %get3A_1259 = arith.index_cast %get3A_1253 : i32 to index
          %get3A_1260 = arith.index_cast %scan3A_1091 : i32 to index
          %get3A_1261 = arith.constant 112 : index
          %get3A_1262 = tpu.vector_load %get3A_1258[%get3A_1259, %get3A_1260, %get3A_1261] {strides = array<i32>} : memref<1x128x128xf32, #tpu.memory_space<vmem>>, vector<1x1x16xf32>,
          %get3A_1263 = vector.shape_cast %get3A_1262 : vector<1x1x16xf32> to vector<16xf32>
          %get3A_1264 = arith.constant 0 : i32
          %get3A_1265 = arith.constant 0 : i32
          %get3A_1266 = arith.constant 0 : i32
          %get3A_1267 = arith.constant 0 : i32
          %get3A_1268 = tpu.memref_slice %run_scoped3A_15[%rem3A_239, %get3A_1265, %get3A_1266, %get3A_1267] : memref<2x1x128x128xf32, #tpu.memory_space<vmem>> -> memref<1x1x128x128xf32, #tpu.memory_space<vmem>>
          %get3A_1269 = tpu.memref_squeeze %get3A_1268 : memref<1x1x128x128xf32, #tpu.memory_space<vmem>> -> memref<1x128x128xf32, #tpu.memory_space<vmem>>
          %get3A_1270 = arith.index_cast %get3A_1264 : i32 to index
          %get3A_1271 = arith.index_cast %scan3A_1091 : i32 to index
          %get3A_1272 = arith.constant 112 : index
          %get3A_1273 = tpu.vector_load %get3A_1269[%get3A_1270, %get3A_1271, %get3A_1272] {strides = array<i32>} : memref<1x128x128xf32, #tpu.memory_space<vmem>>, vector<1x1x16xf32>,
          %get3A_1274 = vector.shape_cast %get3A_1273 : vector<1x1x16xf32> to vector<16xf32>
          %sub3A_1275 = arith.subf %get3A_1263, %get3A_1274 : vector<16xf32>
          %add3A_1276 = arith.addf %sub3A_888, %sub3A_888 : vector<16xf32>
          %add3A_1277 = arith.addf %scan3A_850, %sub3A_1114 : vector<16xf32>
          %sub3A_1278 = arith.subf %add3A_1276, %add3A_1277 : vector<16xf32>
          %abs3A_1279 = math.absf %sub3A_1278 : vector<16xf32>
          %add3A_1280 = arith.addf %add3A_1054, %abs3A_1279 : vector<16xf32>
          %add3A_1281 = arith.addf %sub3A_911, %sub3A_911 : vector<16xf32>
          %add3A_1282 = arith.addf %scan3A_851, %sub3A_1137 : vector<16xf32>
          %sub3A_1283 = arith.subf %add3A_1281, %add3A_1282 : vector<16xf32>
          %abs3A_1284 = math.absf %sub3A_1283 : vector<16xf32>
          %add3A_1285 = arith.addf %add3A_1059, %abs3A_1284 : vector<16xf32>
          %add3A_1286 = arith.addf %sub3A_934, %sub3A_934 : vector<16xf32>
          %add3A_1287 = arith.addf %scan3A_852, %sub3A_1160 : vector<16xf32>
          %sub3A_1288 = arith.subf %add3A_1286, %add3A_1287 : vector<16xf32>
          %abs3A_1289 = math.absf %sub3A_1288 : vector<16xf32>
          %add3A_1290 = arith.addf %add3A_1064, %abs3A_1289 : vector<16xf32>
          %add3A_1291 = arith.addf %sub3A_957, %sub3A_957 : vector<16xf32>
          %add3A_1292 = arith.addf %scan3A_853, %sub3A_1183 : vector<16xf32>
          %sub3A_1293 = arith.subf %add3A_1291, %add3A_1292 : vector<16xf32>
          %abs3A_1294 = math.absf %sub3A_1293 : vector<16xf32>
          %add3A_1295 = arith.addf %add3A_1069, %abs3A_1294 : vector<16xf32>
          %add3A_1296 = arith.addf %sub3A_980, %sub3A_980 : vector<16xf32>
          %add3A_1297 = arith.addf %scan3A_854, %sub3A_1206 : vector<16xf32>
          %sub3A_1298 = arith.subf %add3A_1296, %add3A_1297 : vector<16xf32>
          %abs3A_1299 = math.absf %sub3A_1298 : vector<16xf32>
          %add3A_1300 = arith.addf %add3A_1074, %abs3A_1299 : vector<16xf32>
          %add3A_1301 = arith.addf %sub3A_1003, %sub3A_1003 : vector<16xf32>
          %add3A_1302 = arith.addf %scan3A_855, %sub3A_1229 : vector<16xf32>
          %sub3A_1303 = arith.subf %add3A_1301, %add3A_1302 : vector<16xf32>
          %abs3A_1304 = math.absf %sub3A_1303 : vector<16xf32>
          %add3A_1305 = arith.addf %add3A_1079, %abs3A_1304 : vector<16xf32>
          %add3A_1306 = arith.addf %sub3A_1026, %sub3A_1026 : vector<16xf32>
          %add3A_1307 = arith.addf %scan3A_856, %sub3A_1252 : vector<16xf32>
          %sub3A_1308 = arith.subf %add3A_1306, %add3A_1307 : vector<16xf32>
          %abs3A_1309 = math.absf %sub3A_1308 : vector<16xf32>
          %add3A_1310 = arith.addf %add3A_1084, %abs3A_1309 : vector<16xf32>
          %add3A_1311 = arith.addf %sub3A_1049, %sub3A_1049 : vector<16xf32>
          %add3A_1312 = arith.addf %scan3A_857, %sub3A_1275 : vector<16xf32>
          %sub3A_1313 = arith.subf %add3A_1311, %add3A_1312 : vector<16xf32>
          %abs3A_1314 = math.absf %sub3A_1313 : vector<16xf32>
          %add3A_1315 = arith.addf %add3A_1089, %abs3A_1314 : vector<16xf32>
          %scan3A_1316 = arith.constant 2 : i32
          %scan3A_1317 = arith.addi %scan3A_841, %scan3A_1316 : i32
          %get3A_1318 = arith.constant 0 : i32
          %get3A_1319 = arith.constant 0 : i32
          %get3A_1320 = arith.constant 0 : i32
          %get3A_1321 = arith.constant 0 : i32
          %get3A_1322 = tpu.memref_slice %run_scoped3A[%rem3A_237, %get3A_1319, %get3A_1320, %get3A_1321] : memref<2x1x128x128xf32, #tpu.memory_space<vmem>> -> memref<1x1x128x128xf32, #tpu.memory_space<vmem>>
          %get3A_1323 = tpu.memref_squeeze %get3A_1322 : memref<1x1x128x128xf32, #tpu.memory_space<vmem>> -> memref<1x128x128xf32, #tpu.memory_space<vmem>>
          %get3A_1324 = arith.index_cast %get3A_1318 : i32 to index
          %get3A_1325 = arith.index_cast %scan3A_1317 : i32 to index
          %get3A_1326 = arith.constant 0 : index
          %get3A_1327 = tpu.vector_load %get3A_1323[%get3A_1324, %get3A_1325, %get3A_1326] {strides = array<i32>} : memref<1x128x128xf32, #tpu.memory_space<vmem>>, vector<1x1x16xf32>,
          %get3A_1328 = vector.shape_cast %get3A_1327 : vector<1x1x16xf32> to vector<16xf32>
          %get3A_1329 = arith.constant 0 : i32
          %get3A_1330 = arith.constant 0 : i32
          %get3A_1331 = arith.constant 0 : i32
          %get3A_1332 = arith.constant 0 : i32
          %get3A_1333 = tpu.memref_slice %run_scoped3A_15[%rem3A_239, %get3A_1330, %get3A_1331, %get3A_1332] : memref<2x1x128x128xf32, #tpu.memory_space<vmem>> -> memref<1x1x128x128xf32, #tpu.memory_space<vmem>>
          %get3A_1334 = tpu.memref_squeeze %get3A_1333 : memref<1x1x128x128xf32, #tpu.memory_space<vmem>> -> memref<1x128x128xf32, #tpu.memory_space<vmem>>
          %get3A_1335 = arith.index_cast %get3A_1329 : i32 to index
          %get3A_1336 = arith.index_cast %scan3A_1317 : i32 to index
          %get3A_1337 = arith.constant 0 : index
          %get3A_1338 = tpu.vector_load %get3A_1334[%get3A_1335, %get3A_1336, %get3A_1337] {strides = array<i32>} : memref<1x128x128xf32, #tpu.memory_space<vmem>>, vector<1x1x16xf32>,
          %get3A_1339 = vector.shape_cast %get3A_1338 : vector<1x1x16xf32> to vector<16xf32>
          %sub3A_1340 = arith.subf %get3A_1328, %get3A_1339 : vector<16xf32>
          %get3A_1341 = arith.constant 0 : i32
          %get3A_1342 = arith.constant 0 : i32
          %get3A_1343 = arith.constant 0 : i32
          %get3A_1344 = arith.constant 0 : i32
          %get3A_1345 = tpu.memref_slice %run_scoped3A[%rem3A_237, %get3A_1342, %get3A_1343, %get3A_1344] : memref<2x1x128x128xf32, #tpu.memory_space<vmem>> -> memref<1x1x128x128xf32, #tpu.memory_space<vmem>>
          %get3A_1346 = tpu.memref_squeeze %get3A_1345 : memref<1x1x128x128xf32, #tpu.memory_space<vmem>> -> memref<1x128x128xf32, #tpu.memory_space<vmem>>
          %get3A_1347 = arith.index_cast %get3A_1341 : i32 to index
          %get3A_1348 = arith.index_cast %scan3A_1317 : i32 to index
          %get3A_1349 = arith.constant 16 : index
          %get3A_1350 = tpu.vector_load %get3A_1346[%get3A_1347, %get3A_1348, %get3A_1349] {strides = array<i32>} : memref<1x128x128xf32, #tpu.memory_space<vmem>>, vector<1x1x16xf32>,
          %get3A_1351 = vector.shape_cast %get3A_1350 : vector<1x1x16xf32> to vector<16xf32>
          %get3A_1352 = arith.constant 0 : i32
          %get3A_1353 = arith.constant 0 : i32
          %get3A_1354 = arith.constant 0 : i32
          %get3A_1355 = arith.constant 0 : i32
          %get3A_1356 = tpu.memref_slice %run_scoped3A_15[%rem3A_239, %get3A_1353, %get3A_1354, %get3A_1355] : memref<2x1x128x128xf32, #tpu.memory_space<vmem>> -> memref<1x1x128x128xf32, #tpu.memory_space<vmem>>
          %get3A_1357 = tpu.memref_squeeze %get3A_1356 : memref<1x1x128x128xf32, #tpu.memory_space<vmem>> -> memref<1x128x128xf32, #tpu.memory_space<vmem>>
          %get3A_1358 = arith.index_cast %get3A_1352 : i32 to index
          %get3A_1359 = arith.index_cast %scan3A_1317 : i32 to index
          %get3A_1360 = arith.constant 16 : index
          %get3A_1361 = tpu.vector_load %get3A_1357[%get3A_1358, %get3A_1359, %get3A_1360] {strides = array<i32>} : memref<1x128x128xf32, #tpu.memory_space<vmem>>, vector<1x1x16xf32>,
          %get3A_1362 = vector.shape_cast %get3A_1361 : vector<1x1x16xf32> to vector<16xf32>
          %sub3A_1363 = arith.subf %get3A_1351, %get3A_1362 : vector<16xf32>
          %get3A_1364 = arith.constant 0 : i32
          %get3A_1365 = arith.constant 0 : i32
          %get3A_1366 = arith.constant 0 : i32
          %get3A_1367 = arith.constant 0 : i32
          %get3A_1368 = tpu.memref_slice %run_scoped3A[%rem3A_237, %get3A_1365, %get3A_1366, %get3A_1367] : memref<2x1x128x128xf32, #tpu.memory_space<vmem>> -> memref<1x1x128x128xf32, #tpu.memory_space<vmem>>
          %get3A_1369 = tpu.memref_squeeze %get3A_1368 : memref<1x1x128x128xf32, #tpu.memory_space<vmem>> -> memref<1x128x128xf32, #tpu.memory_space<vmem>>
          %get3A_1370 = arith.index_cast %get3A_1364 : i32 to index
          %get3A_1371 = arith.index_cast %scan3A_1317 : i32 to index
          %get3A_1372 = arith.constant 32 : index
          %get3A_1373 = tpu.vector_load %get3A_1369[%get3A_1370, %get3A_1371, %get3A_1372] {strides = array<i32>} : memref<1x128x128xf32, #tpu.memory_space<vmem>>, vector<1x1x16xf32>,
          %get3A_1374 = vector.shape_cast %get3A_1373 : vector<1x1x16xf32> to vector<16xf32>
          %get3A_1375 = arith.constant 0 : i32
          %get3A_1376 = arith.constant 0 : i32
          %get3A_1377 = arith.constant 0 : i32
          %get3A_1378 = arith.constant 0 : i32
          %get3A_1379 = tpu.memref_slice %run_scoped3A_15[%rem3A_239, %get3A_1376, %get3A_1377, %get3A_1378] : memref<2x1x128x128xf32, #tpu.memory_space<vmem>> -> memref<1x1x128x128xf32, #tpu.memory_space<vmem>>
          %get3A_1380 = tpu.memref_squeeze %get3A_1379 : memref<1x1x128x128xf32, #tpu.memory_space<vmem>> -> memref<1x128x128xf32, #tpu.memory_space<vmem>>
          %get3A_1381 = arith.index_cast %get3A_1375 : i32 to index
          %get3A_1382 = arith.index_cast %scan3A_1317 : i32 to index
          %get3A_1383 = arith.constant 32 : index
          %get3A_1384 = tpu.vector_load %get3A_1380[%get3A_1381, %get3A_1382, %get3A_1383] {strides = array<i32>} : memref<1x128x128xf32, #tpu.memory_space<vmem>>, vector<1x1x16xf32>,
          %get3A_1385 = vector.shape_cast %get3A_1384 : vector<1x1x16xf32> to vector<16xf32>
          %sub3A_1386 = arith.subf %get3A_1374, %get3A_1385 : vector<16xf32>
          %get3A_1387 = arith.constant 0 : i32
          %get3A_1388 = arith.constant 0 : i32
          %get3A_1389 = arith.constant 0 : i32
          %get3A_1390 = arith.constant 0 : i32
          %get3A_1391 = tpu.memref_slice %run_scoped3A[%rem3A_237, %get3A_1388, %get3A_1389, %get3A_1390] : memref<2x1x128x128xf32, #tpu.memory_space<vmem>> -> memref<1x1x128x128xf32, #tpu.memory_space<vmem>>
          %get3A_1392 = tpu.memref_squeeze %get3A_1391 : memref<1x1x128x128xf32, #tpu.memory_space<vmem>> -> memref<1x128x128xf32, #tpu.memory_space<vmem>>
          %get3A_1393 = arith.index_cast %get3A_1387 : i32 to index
          %get3A_1394 = arith.index_cast %scan3A_1317 : i32 to index
          %get3A_1395 = arith.constant 48 : index
          %get3A_1396 = tpu.vector_load %get3A_1392[%get3A_1393, %get3A_1394, %get3A_1395] {strides = array<i32>} : memref<1x128x128xf32, #tpu.memory_space<vmem>>, vector<1x1x16xf32>,
          %get3A_1397 = vector.shape_cast %get3A_1396 : vector<1x1x16xf32> to vector<16xf32>
          %get3A_1398 = arith.constant 0 : i32
          %get3A_1399 = arith.constant 0 : i32
          %get3A_1400 = arith.constant 0 : i32
          %get3A_1401 = arith.constant 0 : i32
          %get3A_1402 = tpu.memref_slice %run_scoped3A_15[%rem3A_239, %get3A_1399, %get3A_1400, %get3A_1401] : memref<2x1x128x128xf32, #tpu.memory_space<vmem>> -> memref<1x1x128x128xf32, #tpu.memory_space<vmem>>
          %get3A_1403 = tpu.memref_squeeze %get3A_1402 : memref<1x1x128x128xf32, #tpu.memory_space<vmem>> -> memref<1x128x128xf32, #tpu.memory_space<vmem>>
          %get3A_1404 = arith.index_cast %get3A_1398 : i32 to index
          %get3A_1405 = arith.index_cast %scan3A_1317 : i32 to index
          %get3A_1406 = arith.constant 48 : index
          %get3A_1407 = tpu.vector_load %get3A_1403[%get3A_1404, %get3A_1405, %get3A_1406] {strides = array<i32>} : memref<1x128x128xf32, #tpu.memory_space<vmem>>, vector<1x1x16xf32>,
          %get3A_1408 = vector.shape_cast %get3A_1407 : vector<1x1x16xf32> to vector<16xf32>
          %sub3A_1409 = arith.subf %get3A_1397, %get3A_1408 : vector<16xf32>
          %get3A_1410 = arith.constant 0 : i32
          %get3A_1411 = arith.constant 0 : i32
          %get3A_1412 = arith.constant 0 : i32
          %get3A_1413 = arith.constant 0 : i32
          %get3A_1414 = tpu.memref_slice %run_scoped3A[%rem3A_237, %get3A_1411, %get3A_1412, %get3A_1413] : memref<2x1x128x128xf32, #tpu.memory_space<vmem>> -> memref<1x1x128x128xf32, #tpu.memory_space<vmem>>
          %get3A_1415 = tpu.memref_squeeze %get3A_1414 : memref<1x1x128x128xf32, #tpu.memory_space<vmem>> -> memref<1x128x128xf32, #tpu.memory_space<vmem>>
          %get3A_1416 = arith.index_cast %get3A_1410 : i32 to index
          %get3A_1417 = arith.index_cast %scan3A_1317 : i32 to index
          %get3A_1418 = arith.constant 64 : index
          %get3A_1419 = tpu.vector_load %get3A_1415[%get3A_1416, %get3A_1417, %get3A_1418] {strides = array<i32>} : memref<1x128x128xf32, #tpu.memory_space<vmem>>, vector<1x1x16xf32>,
          %get3A_1420 = vector.shape_cast %get3A_1419 : vector<1x1x16xf32> to vector<16xf32>
          %get3A_1421 = arith.constant 0 : i32
          %get3A_1422 = arith.constant 0 : i32
          %get3A_1423 = arith.constant 0 : i32
          %get3A_1424 = arith.constant 0 : i32
          %get3A_1425 = tpu.memref_slice %run_scoped3A_15[%rem3A_239, %get3A_1422, %get3A_1423, %get3A_1424] : memref<2x1x128x128xf32, #tpu.memory_space<vmem>> -> memref<1x1x128x128xf32, #tpu.memory_space<vmem>>
          %get3A_1426 = tpu.memref_squeeze %get3A_1425 : memref<1x1x128x128xf32, #tpu.memory_space<vmem>> -> memref<1x128x128xf32, #tpu.memory_space<vmem>>
          %get3A_1427 = arith.index_cast %get3A_1421 : i32 to index
          %get3A_1428 = arith.index_cast %scan3A_1317 : i32 to index
          %get3A_1429 = arith.constant 64 : index
          %get3A_1430 = tpu.vector_load %get3A_1426[%get3A_1427, %get3A_1428, %get3A_1429] {strides = array<i32>} : memref<1x128x128xf32, #tpu.memory_space<vmem>>, vector<1x1x16xf32>,
          %get3A_1431 = vector.shape_cast %get3A_1430 : vector<1x1x16xf32> to vector<16xf32>
          %sub3A_1432 = arith.subf %get3A_1420, %get3A_1431 : vector<16xf32>
          %get3A_1433 = arith.constant 0 : i32
          %get3A_1434 = arith.constant 0 : i32
          %get3A_1435 = arith.constant 0 : i32
          %get3A_1436 = arith.constant 0 : i32
          %get3A_1437 = tpu.memref_slice %run_scoped3A[%rem3A_237, %get3A_1434, %get3A_1435, %get3A_1436] : memref<2x1x128x128xf32, #tpu.memory_space<vmem>> -> memref<1x1x128x128xf32, #tpu.memory_space<vmem>>
          %get3A_1438 = tpu.memref_squeeze %get3A_1437 : memref<1x1x128x128xf32, #tpu.memory_space<vmem>> -> memref<1x128x128xf32, #tpu.memory_space<vmem>>
          %get3A_1439 = arith.index_cast %get3A_1433 : i32 to index
          %get3A_1440 = arith.index_cast %scan3A_1317 : i32 to index
          %get3A_1441 = arith.constant 80 : index
          %get3A_1442 = tpu.vector_load %get3A_1438[%get3A_1439, %get3A_1440, %get3A_1441] {strides = array<i32>} : memref<1x128x128xf32, #tpu.memory_space<vmem>>, vector<1x1x16xf32>,
          %get3A_1443 = vector.shape_cast %get3A_1442 : vector<1x1x16xf32> to vector<16xf32>
          %get3A_1444 = arith.constant 0 : i32
          %get3A_1445 = arith.constant 0 : i32
          %get3A_1446 = arith.constant 0 : i32
          %get3A_1447 = arith.constant 0 : i32
          %get3A_1448 = tpu.memref_slice %run_scoped3A_15[%rem3A_239, %get3A_1445, %get3A_1446, %get3A_1447] : memref<2x1x128x128xf32, #tpu.memory_space<vmem>> -> memref<1x1x128x128xf32, #tpu.memory_space<vmem>>
          %get3A_1449 = tpu.memref_squeeze %get3A_1448 : memref<1x1x128x128xf32, #tpu.memory_space<vmem>> -> memref<1x128x128xf32, #tpu.memory_space<vmem>>
          %get3A_1450 = arith.index_cast %get3A_1444 : i32 to index
          %get3A_1451 = arith.index_cast %scan3A_1317 : i32 to index
          %get3A_1452 = arith.constant 80 : index
          %get3A_1453 = tpu.vector_load %get3A_1449[%get3A_1450, %get3A_1451, %get3A_1452] {strides = array<i32>} : memref<1x128x128xf32, #tpu.memory_space<vmem>>, vector<1x1x16xf32>,
          %get3A_1454 = vector.shape_cast %get3A_1453 : vector<1x1x16xf32> to vector<16xf32>
          %sub3A_1455 = arith.subf %get3A_1443, %get3A_1454 : vector<16xf32>
          %get3A_1456 = arith.constant 0 : i32
          %get3A_1457 = arith.constant 0 : i32
          %get3A_1458 = arith.constant 0 : i32
          %get3A_1459 = arith.constant 0 : i32
          %get3A_1460 = tpu.memref_slice %run_scoped3A[%rem3A_237, %get3A_1457, %get3A_1458, %get3A_1459] : memref<2x1x128x128xf32, #tpu.memory_space<vmem>> -> memref<1x1x128x128xf32, #tpu.memory_space<vmem>>
          %get3A_1461 = tpu.memref_squeeze %get3A_1460 : memref<1x1x128x128xf32, #tpu.memory_space<vmem>> -> memref<1x128x128xf32, #tpu.memory_space<vmem>>
          %get3A_1462 = arith.index_cast %get3A_1456 : i32 to index
          %get3A_1463 = arith.index_cast %scan3A_1317 : i32 to index
          %get3A_1464 = arith.constant 96 : index
          %get3A_1465 = tpu.vector_load %get3A_1461[%get3A_1462, %get3A_1463, %get3A_1464] {strides = array<i32>} : memref<1x128x128xf32, #tpu.memory_space<vmem>>, vector<1x1x16xf32>,
          %get3A_1466 = vector.shape_cast %get3A_1465 : vector<1x1x16xf32> to vector<16xf32>
          %get3A_1467 = arith.constant 0 : i32
          %get3A_1468 = arith.constant 0 : i32
          %get3A_1469 = arith.constant 0 : i32
          %get3A_1470 = arith.constant 0 : i32
          %get3A_1471 = tpu.memref_slice %run_scoped3A_15[%rem3A_239, %get3A_1468, %get3A_1469, %get3A_1470] : memref<2x1x128x128xf32, #tpu.memory_space<vmem>> -> memref<1x1x128x128xf32, #tpu.memory_space<vmem>>
          %get3A_1472 = tpu.memref_squeeze %get3A_1471 : memref<1x1x128x128xf32, #tpu.memory_space<vmem>> -> memref<1x128x128xf32, #tpu.memory_space<vmem>>
          %get3A_1473 = arith.index_cast %get3A_1467 : i32 to index
          %get3A_1474 = arith.index_cast %scan3A_1317 : i32 to index
          %get3A_1475 = arith.constant 96 : index
          %get3A_1476 = tpu.vector_load %get3A_1472[%get3A_1473, %get3A_1474, %get3A_1475] {strides = array<i32>} : memref<1x128x128xf32, #tpu.memory_space<vmem>>, vector<1x1x16xf32>,
          %get3A_1477 = vector.shape_cast %get3A_1476 : vector<1x1x16xf32> to vector<16xf32>
          %sub3A_1478 = arith.subf %get3A_1466, %get3A_1477 : vector<16xf32>
          %get3A_1479 = arith.constant 0 : i32
          %get3A_1480 = arith.constant 0 : i32
          %get3A_1481 = arith.constant 0 : i32
          %get3A_1482 = arith.constant 0 : i32
          %get3A_1483 = tpu.memref_slice %run_scoped3A[%rem3A_237, %get3A_1480, %get3A_1481, %get3A_1482] : memref<2x1x128x128xf32, #tpu.memory_space<vmem>> -> memref<1x1x128x128xf32, #tpu.memory_space<vmem>>
          %get3A_1484 = tpu.memref_squeeze %get3A_1483 : memref<1x1x128x128xf32, #tpu.memory_space<vmem>> -> memref<1x128x128xf32, #tpu.memory_space<vmem>>
          %get3A_1485 = arith.index_cast %get3A_1479 : i32 to index
          %get3A_1486 = arith.index_cast %scan3A_1317 : i32 to index
          %get3A_1487 = arith.constant 112 : index
          %get3A_1488 = tpu.vector_load %get3A_1484[%get3A_1485, %get3A_1486, %get3A_1487] {strides = array<i32>} : memref<1x128x128xf32, #tpu.memory_space<vmem>>, vector<1x1x16xf32>,
          %get3A_1489 = vector.shape_cast %get3A_1488 : vector<1x1x16xf32> to vector<16xf32>
          %get3A_1490 = arith.constant 0 : i32
          %get3A_1491 = arith.constant 0 : i32
          %get3A_1492 = arith.constant 0 : i32
          %get3A_1493 = arith.constant 0 : i32
          %get3A_1494 = tpu.memref_slice %run_scoped3A_15[%rem3A_239, %get3A_1491, %get3A_1492, %get3A_1493] : memref<2x1x128x128xf32, #tpu.memory_space<vmem>> -> memref<1x1x128x128xf32, #tpu.memory_space<vmem>>
          %get3A_1495 = tpu.memref_squeeze %get3A_1494 : memref<1x1x128x128xf32, #tpu.memory_space<vmem>> -> memref<1x128x128xf32, #tpu.memory_space<vmem>>
          %get3A_1496 = arith.index_cast %get3A_1490 : i32 to index
          %get3A_1497 = arith.index_cast %scan3A_1317 : i32 to index
          %get3A_1498 = arith.constant 112 : index
          %get3A_1499 = tpu.vector_load %get3A_1495[%get3A_1496, %get3A_1497, %get3A_1498] {strides = array<i32>} : memref<1x128x128xf32, #tpu.memory_space<vmem>>, vector<1x1x16xf32>,
          %get3A_1500 = vector.shape_cast %get3A_1499 : vector<1x1x16xf32> to vector<16xf32>
          %sub3A_1501 = arith.subf %get3A_1489, %get3A_1500 : vector<16xf32>
          %add3A_1502 = arith.addf %sub3A_1114, %sub3A_1114 : vector<16xf32>
          %add3A_1503 = arith.addf %sub3A_888, %sub3A_1340 : vector<16xf32>
          %sub3A_1504 = arith.subf %add3A_1502, %add3A_1503 : vector<16xf32>
          %abs3A_1505 = math.absf %sub3A_1504 : vector<16xf32>
          %add3A_1506 = arith.addf %add3A_1280, %abs3A_1505 : vector<16xf32>
          %add3A_1507 = arith.addf %sub3A_1137, %sub3A_1137 : vector<16xf32>
          %add3A_1508 = arith.addf %sub3A_911, %sub3A_1363 : vector<16xf32>
          %sub3A_1509 = arith.subf %add3A_1507, %add3A_1508 : vector<16xf32>
          %abs3A_1510 = math.absf %sub3A_1509 : vector<16xf32>
          %add3A_1511 = arith.addf %add3A_1285, %abs3A_1510 : vector<16xf32>
          %add3A_1512 = arith.addf %sub3A_1160, %sub3A_1160 : vector<16xf32>
          %add3A_1513 = arith.addf %sub3A_934, %sub3A_1386 : vector<16xf32>
          %sub3A_1514 = arith.subf %add3A_1512, %add3A_1513 : vector<16xf32>
          %abs3A_1515 = math.absf %sub3A_1514 : vector<16xf32>
          %add3A_1516 = arith.addf %add3A_1290, %abs3A_1515 : vector<16xf32>
          %add3A_1517 = arith.addf %sub3A_1183, %sub3A_1183 : vector<16xf32>
          %add3A_1518 = arith.addf %sub3A_957, %sub3A_1409 : vector<16xf32>
          %sub3A_1519 = arith.subf %add3A_1517, %add3A_1518 : vector<16xf32>
          %abs3A_1520 = math.absf %sub3A_1519 : vector<16xf32>
          %add3A_1521 = arith.addf %add3A_1295, %abs3A_1520 : vector<16xf32>
          %add3A_1522 = arith.addf %sub3A_1206, %sub3A_1206 : vector<16xf32>
          %add3A_1523 = arith.addf %sub3A_980, %sub3A_1432 : vector<16xf32>
          %sub3A_1524 = arith.subf %add3A_1522, %add3A_1523 : vector<16xf32>
          %abs3A_1525 = math.absf %sub3A_1524 : vector<16xf32>
          %add3A_1526 = arith.addf %add3A_1300, %abs3A_1525 : vector<16xf32>
          %add3A_1527 = arith.addf %sub3A_1229, %sub3A_1229 : vector<16xf32>
          %add3A_1528 = arith.addf %sub3A_1003, %sub3A_1455 : vector<16xf32>
          %sub3A_1529 = arith.subf %add3A_1527, %add3A_1528 : vector<16xf32>
          %abs3A_1530 = math.absf %sub3A_1529 : vector<16xf32>
          %add3A_1531 = arith.addf %add3A_1305, %abs3A_1530 : vector<16xf32>
          %add3A_1532 = arith.addf %sub3A_1252, %sub3A_1252 : vector<16xf32>
          %add3A_1533 = arith.addf %sub3A_1026, %sub3A_1478 : vector<16xf32>
          %sub3A_1534 = arith.subf %add3A_1532, %add3A_1533 : vector<16xf32>
          %abs3A_1535 = math.absf %sub3A_1534 : vector<16xf32>
          %add3A_1536 = arith.addf %add3A_1310, %abs3A_1535 : vector<16xf32>
          %add3A_1537 = arith.addf %sub3A_1275, %sub3A_1275 : vector<16xf32>
          %add3A_1538 = arith.addf %sub3A_1049, %sub3A_1501 : vector<16xf32>
          %sub3A_1539 = arith.subf %add3A_1537, %add3A_1538 : vector<16xf32>
          %abs3A_1540 = math.absf %sub3A_1539 : vector<16xf32>
          %add3A_1541 = arith.addf %add3A_1315, %abs3A_1540 : vector<16xf32>
          scf.yield %sub3A_1114, %sub3A_1137, %sub3A_1160, %sub3A_1183, %sub3A_1206, %sub3A_1229, %sub3A_1252, %sub3A_1275, %sub3A_1340, %sub3A_1363, %sub3A_1386, %sub3A_1409, %sub3A_1432, %sub3A_1455, %sub3A_1478, %sub3A_1501, %add3A_1506, %add3A_1511, %add3A_1516, %add3A_1521, %add3A_1526, %add3A_1531, %add3A_1536, %add3A_1541 : vector<16xf32>, vector<16xf32>, vector<16xf32>, vector<16xf32>, vector<16xf32>, vector<16xf32>, vector<16xf32>, vector<16xf32>, vector<16xf32>, vector<16xf32>, vector<16xf32>, vector<16xf32>, vector<16xf32>, vector<16xf32>, vector<16xf32>, vector<16xf32>, vector<16xf32>, vector<16xf32>, vector<16xf32>, vector<16xf32>, vector<16xf32>, vector<16xf32>, vector<16xf32>, vector<16xf32>
        }
        %scan3A_660 = arith.constant 126 : i32
        %add3A_661 = arith.addf %scan3A_659#8, %scan3A_659#8 : vector<16xf32>
        %add3A_662 = arith.addf %scan3A_659#0, %sub3A_263 : vector<16xf32>
        %sub3A_663 = arith.subf %add3A_661, %add3A_662 : vector<16xf32>
        %abs3A = math.absf %sub3A_663 : vector<16xf32>
        %add3A_664 = arith.addf %scan3A_659#16, %abs3A : vector<16xf32>
        %add3A_665 = arith.addf %sub3A_263, %sub3A_263 : vector<16xf32>
        %add3A_666 = arith.addf %scan3A_659#8, %sub3A_463 : vector<16xf32>
        %sub3A_667 = arith.subf %add3A_665, %add3A_666 : vector<16xf32>
        %abs3A_668 = math.absf %sub3A_667 : vector<16xf32>
        %add3A_669 = arith.addf %add3A_664, %abs3A_668 : vector<16xf32>
        %add3A_670 = arith.addf %scan3A_659#9, %scan3A_659#9 : vector<16xf32>
        %add3A_671 = arith.addf %scan3A_659#1, %sub3A_288 : vector<16xf32>
        %sub3A_672 = arith.subf %add3A_670, %add3A_671 : vector<16xf32>
        %abs3A_673 = math.absf %sub3A_672 : vector<16xf32>
        %add3A_674 = arith.addf %scan3A_659#17, %abs3A_673 : vector<16xf32>
        %add3A_675 = arith.addf %sub3A_288, %sub3A_288 : vector<16xf32>
        %add3A_676 = arith.addf %scan3A_659#9, %sub3A_488 : vector<16xf32>
        %sub3A_677 = arith.subf %add3A_675, %add3A_676 : vector<16xf32>
        %abs3A_678 = math.absf %sub3A_677 : vector<16xf32>
        %add3A_679 = arith.addf %add3A_674, %abs3A_678 : vector<16xf32>
        %add3A_680 = arith.addf %scan3A_659#10, %scan3A_659#10 : vector<16xf32>
        %add3A_681 = arith.addf %scan3A_659#2, %sub3A_313 : vector<16xf32>
        %sub3A_682 = arith.subf %add3A_680, %add3A_681 : vector<16xf32>
        %abs3A_683 = math.absf %sub3A_682 : vector<16xf32>
        %add3A_684 = arith.addf %scan3A_659#18, %abs3A_683 : vector<16xf32>
        %add3A_685 = arith.addf %sub3A_313, %sub3A_313 : vector<16xf32>
        %add3A_686 = arith.addf %scan3A_659#10, %sub3A_513 : vector<16xf32>
        %sub3A_687 = arith.subf %add3A_685, %add3A_686 : vector<16xf32>
        %abs3A_688 = math.absf %sub3A_687 : vector<16xf32>
        %add3A_689 = arith.addf %add3A_684, %abs3A_688 : vector<16xf32>
        %add3A_690 = arith.addf %scan3A_659#11, %scan3A_659#11 : vector<16xf32>
        %add3A_691 = arith.addf %scan3A_659#3, %sub3A_338 : vector<16xf32>
        %sub3A_692 = arith.subf %add3A_690, %add3A_691 : vector<16xf32>
        %abs3A_693 = math.absf %sub3A_692 : vector<16xf32>
        %add3A_694 = arith.addf %scan3A_659#19, %abs3A_693 : vector<16xf32>
        %add3A_695 = arith.addf %sub3A_338, %sub3A_338 : vector<16xf32>
        %add3A_696 = arith.addf %scan3A_659#11, %sub3A_538 : vector<16xf32>
        %sub3A_697 = arith.subf %add3A_695, %add3A_696 : vector<16xf32>
        %abs3A_698 = math.absf %sub3A_697 : vector<16xf32>
        %add3A_699 = arith.addf %add3A_694, %abs3A_698 : vector<16xf32>
        %add3A_700 = arith.addf %scan3A_659#12, %scan3A_659#12 : vector<16xf32>
        %add3A_701 = arith.addf %scan3A_659#4, %sub3A_363 : vector<16xf32>
        %sub3A_702 = arith.subf %add3A_700, %add3A_701 : vector<16xf32>
        %abs3A_703 = math.absf %sub3A_702 : vector<16xf32>
        %add3A_704 = arith.addf %scan3A_659#20, %abs3A_703 : vector<16xf32>
        %add3A_705 = arith.addf %sub3A_363, %sub3A_363 : vector<16xf32>
        %add3A_706 = arith.addf %scan3A_659#12, %sub3A_563 : vector<16xf32>
        %sub3A_707 = arith.subf %add3A_705, %add3A_706 : vector<16xf32>
        %abs3A_708 = math.absf %sub3A_707 : vector<16xf32>
        %add3A_709 = arith.addf %add3A_704, %abs3A_708 : vector<16xf32>
        %add3A_710 = arith.addf %scan3A_659#13, %scan3A_659#13 : vector<16xf32>
        %add3A_711 = arith.addf %scan3A_659#5, %sub3A_388 : vector<16xf32>
        %sub3A_712 = arith.subf %add3A_710, %add3A_711 : vector<16xf32>
        %abs3A_713 = math.absf %sub3A_712 : vector<16xf32>
        %add3A_714 = arith.addf %scan3A_659#21, %abs3A_713 : vector<16xf32>
        %add3A_715 = arith.addf %sub3A_388, %sub3A_388 : vector<16xf32>
        %add3A_716 = arith.addf %scan3A_659#13, %sub3A_588 : vector<16xf32>
        %sub3A_717 = arith.subf %add3A_715, %add3A_716 : vector<16xf32>
        %abs3A_718 = math.absf %sub3A_717 : vector<16xf32>
        %add3A_719 = arith.addf %add3A_714, %abs3A_718 : vector<16xf32>
        %add3A_720 = arith.addf %scan3A_659#14, %scan3A_659#14 : vector<16xf32>
        %add3A_721 = arith.addf %scan3A_659#6, %sub3A_413 : vector<16xf32>
        %sub3A_722 = arith.subf %add3A_720, %add3A_721 : vector<16xf32>
        %abs3A_723 = math.absf %sub3A_722 : vector<16xf32>
        %add3A_724 = arith.addf %scan3A_659#22, %abs3A_723 : vector<16xf32>
        %add3A_725 = arith.addf %sub3A_413, %sub3A_413 : vector<16xf32>
        %add3A_726 = arith.addf %scan3A_659#14, %sub3A_613 : vector<16xf32>
        %sub3A_727 = arith.subf %add3A_725, %add3A_726 : vector<16xf32>
        %abs3A_728 = math.absf %sub3A_727 : vector<16xf32>
        %add3A_729 = arith.addf %add3A_724, %abs3A_728 : vector<16xf32>
        %add3A_730 = arith.addf %scan3A_659#15, %scan3A_659#15 : vector<16xf32>
        %add3A_731 = arith.addf %scan3A_659#7, %sub3A_438 : vector<16xf32>
        %sub3A_732 = arith.subf %add3A_730, %add3A_731 : vector<16xf32>
        %abs3A_733 = math.absf %sub3A_732 : vector<16xf32>
        %add3A_734 = arith.addf %scan3A_659#23, %abs3A_733 : vector<16xf32>
        %add3A_735 = arith.addf %sub3A_438, %sub3A_438 : vector<16xf32>
        %add3A_736 = arith.addf %scan3A_659#15, %sub3A_638 : vector<16xf32>
        %sub3A_737 = arith.subf %add3A_735, %add3A_736 : vector<16xf32>
        %abs3A_738 = math.absf %sub3A_737 : vector<16xf32>
        %add3A_739 = arith.addf %add3A_734, %abs3A_738 : vector<16xf32>
        %add3A_740 = arith.addf %add3A_669, %add3A_679 : vector<16xf32>
        %add3A_741 = arith.addf %add3A_740, %add3A_689 : vector<16xf32>
        %add3A_742 = arith.addf %add3A_741, %add3A_699 : vector<16xf32>
        %add3A_743 = arith.addf %add3A_742, %add3A_709 : vector<16xf32>
        %add3A_744 = arith.addf %add3A_743, %add3A_719 : vector<16xf32>
        %add3A_745 = arith.addf %add3A_744, %add3A_729 : vector<16xf32>
        %add3A_746 = arith.addf %add3A_745, %add3A_739 : vector<16xf32>
        %get3A_747 = arith.constant 0 : index
        %get3A_748 = tpu.vector_load %arg5[%get3A_747] {strides = array<i32>} : memref<16xf32, #tpu.memory_space<vmem>>, vector<16xf32>,
        %get3A_749 = vector.shape_cast %get3A_748 : vector<16xf32> to vector<16xf32>
        %add3A_750 = arith.addf %get3A_749, %add3A_746 : vector<16xf32>
        %swap3A_751 = arith.constant 0 : index
        %swap3A_752 = tpu.vector_load %arg5[%swap3A_751] {strides = array<i32>} : memref<16xf32, #tpu.memory_space<vmem>>, vector<16xf32>,
        %swap3A_753 = vector.shape_cast %swap3A_752 : vector<16xf32> to vector<16xf32>
        %swap3A_754 = vector.shape_cast %add3A_750 : vector<16xf32> to vector<16xf32>
        tpu.vector_store %arg5[%swap3A_751], %swap3A_754 {strides = array<i32>} : memref<16xf32, #tpu.memory_space<vmem>>, vector<16xf32>,
        "tpu.trace_stop"() : () -> ()
        %ne3A_755 = arith.cmpi ne, %add3A_153, %add3A_171 : i32
        %or3A_756 = arith.constant false
        %or3A_757 = arith.ori %or3A_756, %ne3A_755 : i1
        %or3A_758 = arith.constant false
        %or3A_759 = arith.ori %or3A_757, %or3A_758 : i1
        %or3A_760 = arith.constant false
        %or3A_761 = arith.ori %or3A_759, %or3A_760 : i1
        %or3A_762 = arith.ori %or3A_761, %eq3A_152 : i1
        %convert_element_type3A_763 = arith.extui %or3A_762 : i1 to i32
        %cond3A_764 = arith.constant 0 : i32
        %cond3A_765 = arith.cmpi ne, %convert_element_type3A_763, %cond3A_764 : i32
        scf.if %cond3A_765 {
        } else {
        }
        %and3A_766 = arith.constant false
        %and3A_767 = arith.andi %or3A_762, %and3A_766 : i1
        %ne3A_768 = arith.cmpi ne, %add3A_153, %add3A_171 : i32
        %or3A_769 = arith.constant false
        %or3A_770 = arith.ori %or3A_769, %ne3A_768 : i1
        %or3A_771 = arith.constant false
        %or3A_772 = arith.ori %or3A_770, %or3A_771 : i1
        %or3A_773 = arith.constant false
        %or3A_774 = arith.ori %or3A_772, %or3A_773 : i1
        %or3A_775 = arith.ori %or3A_774, %eq3A_152 : i1
        %convert_element_type3A_776 = arith.extui %or3A_775 : i1 to i32
        %cond3A_777 = arith.constant 0 : i32
        %cond3A_778 = arith.cmpi ne, %convert_element_type3A_776, %cond3A_777 : i32
        scf.if %cond3A_778 {
        } else {
        }
        %and3A_779 = arith.constant false
        %and3A_780 = arith.andi %or3A_775, %and3A_779 : i1
        %ne3A_781 = arith.cmpi ne, %add3A_153, %add3A_162 : i32
        %or3A_782 = arith.constant false
        %or3A_783 = arith.ori %or3A_782, %ne3A_781 : i1
        %or3A_784 = arith.constant false
        %or3A_785 = arith.ori %or3A_783, %or3A_784 : i1
        %or3A_786 = arith.constant false
        %or3A_787 = arith.ori %or3A_785, %or3A_786 : i1
        %not3A_788 = arith.constant true
        %not3A_789 = arith.xori %eq3A_150, %not3A_788 : i1
        %and3A_790 = arith.andi %or3A_787, %not3A_789 : i1
        %convert_element_type3A_791 = arith.extui %and3A_790 : i1 to i32
        %cond3A_792 = arith.constant 0 : i32
        %cond3A_793 = arith.cmpi ne, %convert_element_type3A_791, %cond3A_792 : i32
        scf.if %cond3A_793 {
        } else {
        }
        %and3A_794 = arith.constant false
        %and3A_795 = arith.andi %and3A_790, %and3A_794 : i1
        %ne3A_796 = arith.cmpi ne, %add3A_153, %add3A_162 : i32
        %or3A_797 = arith.constant false
        %or3A_798 = arith.ori %or3A_797, %ne3A_796 : i1
        %or3A_799 = arith.constant false
        %or3A_800 = arith.ori %or3A_798, %or3A_799 : i1
        %or3A_801 = arith.constant false
        %or3A_802 = arith.ori %or3A_800, %or3A_801 : i1
        %not3A_803 = arith.constant true
        %not3A_804 = arith.xori %eq3A_150, %not3A_803 : i1
        %and3A_805 = arith.andi %or3A_802, %not3A_804 : i1
        %convert_element_type3A_806 = arith.extui %and3A_805 : i1 to i32
        %cond3A_807 = arith.constant 0 : i32
        %cond3A_808 = arith.cmpi ne, %convert_element_type3A_806, %cond3A_807 : i32
        scf.if %cond3A_808 {
        } else {
        }
        %and3A_809 = arith.constant false
        %and3A_810 = arith.andi %and3A_805, %and3A_809 : i1
        %ne3A_811 = arith.cmpi ne, %add3A_153, %add3A_171 : i32
        %or3A_812 = arith.constant false
        %or3A_813 = arith.ori %or3A_812, %ne3A_811 : i1
        %or3A_814 = arith.constant false
        %or3A_815 = arith.ori %or3A_813, %or3A_814 : i1
        %or3A_816 = arith.constant false
        %or3A_817 = arith.ori %or3A_815, %or3A_816 : i1
        %or3A_818 = arith.ori %or3A_817, %eq3A_152 : i1
        %add3A_819 = arith.constant 1 : i32
        %add3A_820 = arith.addi %scan3A_145, %add3A_819 : i32
        %select_n3A_821 = arith.select %or3A_818, %add3A_820, %scan3A_145 : i32
        %ne3A_822 = arith.cmpi ne, %add3A_153, %add3A_171 : i32
        %or3A_823 = arith.constant false
        %or3A_824 = arith.ori %or3A_823, %ne3A_822 : i1
        %or3A_825 = arith.constant false
        %or3A_826 = arith.ori %or3A_824, %or3A_825 : i1
        %or3A_827 = arith.constant false
        %or3A_828 = arith.ori %or3A_826, %or3A_827 : i1
        %or3A_829 = arith.ori %or3A_828, %eq3A_152 : i1
        %add3A_830 = arith.constant 1 : i32
        %add3A_831 = arith.addi %scan3A_147, %add3A_830 : i32
        %select_n3A_832 = arith.select %or3A_829, %add3A_831, %scan3A_147 : i32
        %add3A_833 = arith.constant 1 : i32
        %add3A_834 = arith.addi %scan3A_148, %add3A_833 : i32
        %select_n3A_835 = arith.constant true
        %select_n3A_836 = arith.select %select_n3A_835, %add3A_834, %scan3A_148 : i32
        %eq3A_837 = arith.constant 14 : i32
        %eq3A_838 = arith.cmpi eq, %select_n3A_836, %eq3A_837 : i32
        %select_n3A_839 = arith.constant 0 : i32
        %select_n3A_840 = arith.select %eq3A_838, %select_n3A_839, %select_n3A_836 : i32
        scf.yield %select_n3A_193, %select_n3A_821, %select_n3A_213, %select_n3A_832, %select_n3A_840 : i32, i32, i32, i32, i32
      }
      %scan3A_107 = arith.constant 14 : i32
      %sub3A = arith.constant 1 : i32
      %sub3A_108 = arith.subi %scan3A_106#4, %sub3A : i32
      %select_n3A_109 = arith.constant true
      %select_n3A_110 = arith.select %select_n3A_109, %sub3A_108, %scan3A_106#4 : i32
      %eq3A_111 = arith.constant -1 : i32
      %eq3A_112 = arith.cmpi eq, %select_n3A_110, %eq3A_111 : i32
      %select_n3A_113 = arith.constant 13 : i32
      %select_n3A_114 = arith.select %eq3A_112, %select_n3A_113, %select_n3A_110 : i32
      %add3A_115 = arith.addi %select_n3A_114, %mul3A_10 : i32
      %sub3A_116 = arith.constant 1 : i32
      %sub3A_117 = arith.subi %select_n3A_114, %sub3A_116 : i32
      %select_n3A_118 = arith.constant true
      %select_n3A_119 = arith.select %select_n3A_118, %sub3A_117, %select_n3A_114 : i32
      %eq3A_120 = arith.constant -1 : i32
      %eq3A_121 = arith.cmpi eq, %select_n3A_119, %eq3A_120 : i32
      %select_n3A_122 = arith.constant 13 : i32
      %select_n3A_123 = arith.select %eq3A_121, %select_n3A_122, %select_n3A_119 : i32
      %add3A_124 = arith.addi %select_n3A_123, %mul3A_10 : i32
      %add3A_125 = arith.constant 1 : i32
      %add3A_126 = arith.addi %select_n3A_114, %add3A_125 : i32
      %select_n3A_127 = arith.constant true
      %select_n3A_128 = arith.select %select_n3A_127, %add3A_126, %select_n3A_114 : i32
      %eq3A_129 = arith.constant 14 : i32
      %eq3A_130 = arith.cmpi eq, %select_n3A_128, %eq3A_129 : i32
      %select_n3A_131 = arith.constant 0 : i32
      %select_n3A_132 = arith.select %eq3A_130, %select_n3A_131, %select_n3A_128 : i32
      %add3A_133 = arith.addi %select_n3A_132, %mul3A_10 : i32
      %add3A_134 = arith.constant 1 : i32
      %add3A_135 = arith.addi %select_n3A_132, %add3A_134 : i32
      %select_n3A_136 = arith.constant true
      %select_n3A_137 = arith.select %select_n3A_136, %add3A_135, %select_n3A_132 : i32
      %eq3A_138 = arith.constant 14 : i32
      %eq3A_139 = arith.cmpi eq, %select_n3A_137, %eq3A_138 : i32
      %select_n3A_140 = arith.constant 0 : i32
      %select_n3A_141 = arith.select %eq3A_139, %select_n3A_140, %select_n3A_137 : i32
      %add3A_142 = arith.addi %select_n3A_141, %mul3A_10 : i32
      tpu.yield
    }) : () -> ()
    %mul3A_11 = arith.constant 2 : i32
    %mul3A_12 = arith.muli %arg1, %mul3A_11 : i32
    %add3A_13 = arith.addi %mul3A_12, %arg0 : i32
    "tpu.region"() ({
      %run_scoped3A = tpu.sem_alloc : memref<!tpu.dma_semaphore, #tpu.memory_space<semaphore_mem>>
      %dma_start3A = arith.constant 0 : i32
      %dma_start3A_14 = tpu.memref_slice %arg4[%add3A_13, %dma_start3A] : memref<32x16xf32, #tpu.memory_space<hbm>> -> memref<1x16xf32, #tpu.memory_space<hbm>>
      %dma_start3A_15 = tpu.memref_squeeze %dma_start3A_14 : memref<1x16xf32, #tpu.memory_space<hbm>> -> memref<16xf32, #tpu.memory_space<hbm>>
      %dma_start3A_16 = arith.constant 0 : i32
      %dma_start3A_17 = tpu.memref_slice %arg4[%add3A_13, %dma_start3A_16] : memref<32x16xf32, #tpu.memory_space<hbm>> -> memref<1x16xf32, #tpu.memory_space<hbm>>
      %dma_start3A_18 = tpu.memref_squeeze %dma_start3A_17 : memref<1x16xf32, #tpu.memory_space<hbm>> -> memref<16xf32, #tpu.memory_space<hbm>>
      tpu.enqueue_dma source(%arg5 : memref<16xf32, #tpu.memory_space<vmem>>) target(%dma_start3A_18 : memref<16xf32, #tpu.memory_space<hbm>>) target_semaphore(%run_scoped3A : memref<!tpu.dma_semaphore, #tpu.memory_space<semaphore_mem>>)
      %dma_wait3A = arith.constant 0 : i32
      %dma_wait3A_19 = tpu.memref_slice %arg4[%add3A_13, %dma_wait3A] : memref<32x16xf32, #tpu.memory_space<hbm>> -> memref<1x16xf32, #tpu.memory_space<hbm>>
      %dma_wait3A_20 = tpu.memref_squeeze %dma_wait3A_19 : memref<1x16xf32, #tpu.memory_space<hbm>> -> memref<16xf32, #tpu.memory_space<hbm>>
      %dma_wait3A_21 = arith.constant 0 : i32
      %dma_wait3A_22 = tpu.memref_slice %arg4[%add3A_13, %dma_wait3A_21] : memref<32x16xf32, #tpu.memory_space<hbm>> -> memref<1x16xf32, #tpu.memory_space<hbm>>
      %dma_wait3A_23 = tpu.memref_squeeze %dma_wait3A_22 : memref<1x16xf32, #tpu.memory_space<hbm>> -> memref<16xf32, #tpu.memory_space<hbm>>
      tpu.wait_dma2 semaphore(%run_scoped3A : memref<!tpu.dma_semaphore, #tpu.memory_space<semaphore_mem>>) src(%arg5 : memref<16xf32, #tpu.memory_space<vmem>>) dst(%dma_wait3A_23 : memref<16xf32, #tpu.memory_space<hbm>>)
      tpu.yield
    }) : () -> ()
    return
  }
}

module attributes {stable_mosaic.version = 14 : i64} {
  func.func @_tc_lap_l1_kernel(%arg0: i32, %arg1: memref<64x128x128xf32, #tpu.memory_space<vmem>>, %arg2: memref<64x128x128xf32, #tpu.memory_space<vmem>>, %arg3: memref<1x1xf32, #tpu.memory_space<vmem>>) attributes {dimension_semantics = [#tpu.dimension_semantics<arbitrary>], iteration_bounds = array<i64: 9>, scalar_prefetch = 0 : i64, scratch_operands = 0 : i64, tpu.core_type = #tpu.core_type<tc>, window_params = [{transform_indices = @transform_0, window_bounds = array<i64: 64, 128, 128>}, {transform_indices = @transform_1, window_bounds = array<i64: 64, 128, 128>}, {pipeline_mode = #tpu.pipeline_mode<synchronous>, transform_indices = @transform_2, window_bounds = array<i64: 1, 1>}]} {
    %get3A = arith.constant 0 : index
    %get3A_0 = arith.constant 0 : index
    %get3A_1 = arith.constant 0 : index
    %get3A_2 = vector.load %arg1[%get3A, %get3A_0, %get3A_1] : memref<64x128x128xf32, #tpu.memory_space<vmem>>, vector<64x128x128xf32>
    %get3A_3 = arith.constant 0 : index
    %get3A_4 = arith.constant 0 : index
    %get3A_5 = arith.constant 0 : index
    %get3A_6 = vector.load %arg2[%get3A_3, %get3A_4, %get3A_5] : memref<64x128x128xf32, #tpu.memory_space<vmem>>, vector<64x128x128xf32>
    %sub3A = arith.subf %get3A_2, %get3A_6 : vector<64x128x128xf32>
    %slice3A = vector.extract_strided_slice %sub3A {offsets = [0, 127, 0], sizes = [64, 1, 128], strides = [1, 1, 1]} : vector<64x128x128xf32> to vector<64x1x128xf32>
    %slice3A_7 = vector.extract_strided_slice %sub3A {offsets = [0, 0, 0], sizes = [64, 127, 128], strides = [1, 1, 1]} : vector<64x128x128xf32> to vector<64x127x128xf32>
    %concatenate3A = tpu.concatenate %slice3A, %slice3A_7 in 1 : vector<64x1x128xf32>, vector<64x127x128xf32> -> vector<64x128x128xf32>
    %slice3A_8 = vector.extract_strided_slice %sub3A {offsets = [0, 1, 0], sizes = [64, 127, 128], strides = [1, 1, 1]} : vector<64x128x128xf32> to vector<64x127x128xf32>
    %slice3A_9 = vector.extract_strided_slice %sub3A {offsets = [0, 0, 0], sizes = [64, 1, 128], strides = [1, 1, 1]} : vector<64x128x128xf32> to vector<64x1x128xf32>
    %concatenate3A_10 = tpu.concatenate %slice3A_8, %slice3A_9 in 1 : vector<64x127x128xf32>, vector<64x1x128xf32> -> vector<64x128x128xf32>
    %add3A = arith.addf %concatenate3A, %concatenate3A_10 : vector<64x128x128xf32>
    %mul3A = arith.constant 5.000000e-01 : f32
    %mul3A_11 = vector.broadcast %mul3A : f32 to vector<64x128x128xf32>
    %mul3A_12 = arith.mulf %mul3A_11, %add3A : vector<64x128x128xf32>
    %sub3A_13 = arith.subf %sub3A, %mul3A_12 : vector<64x128x128xf32>
    %abs3A = math.absf %sub3A_13 : vector<64x128x128xf32>
    %reduce_sum3A = vector.shape_cast %abs3A : vector<64x128x128xf32> to vector<1x64x128x128xf32>
    %reduce_sum3A_14 = arith.constant dense<0.000000e+00> : vector<1xf32>
    %reduce_sum3A_15 = vector.multi_reduction <add>, %reduce_sum3A, %reduce_sum3A_14 [1, 2, 3] : vector<1x64x128x128xf32> to vector<1xf32>
    %reduce_sum3A_16 = vector.shape_cast %reduce_sum3A_15 : vector<1xf32> to vector<1x1x1x1xf32>
    %reduce_sum3A_17 = vector.extract %reduce_sum3A_16[0, 0, 0, 0] : f32 from vector<1x1x1x1xf32>
    %reshape3A = vector.broadcast %reduce_sum3A_17 : f32 to vector<1x1xf32>
    %eq3A = arith.constant 0 : i32
    %eq3A_18 = arith.cmpi eq, %arg0, %eq3A : i32
    %convert_element_type3A = arith.extui %eq3A_18 : i1 to i32
    %cond3A = arith.constant 0 : i32
    %cond3A_19 = arith.cmpi ne, %convert_element_type3A, %cond3A : i32
    scf.if %cond3A_19 {
      %broadcast_in_dim3A = arith.constant 0.000000e+00 : f32
      %broadcast_in_dim3A_26 = vector.broadcast %broadcast_in_dim3A : f32 to vector<1x1xf32>
      %swap3A_27 = arith.constant 0 : index
      %swap3A_28 = arith.constant 0 : index
      %swap3A_29 = vector.load %arg3[%swap3A_27, %swap3A_28] : memref<1x1xf32, #tpu.memory_space<vmem>>, vector<1x1xf32>
      tpu.vector_store %arg3[%swap3A_27, %swap3A_28], %broadcast_in_dim3A_26 {strides = array<i32>} : memref<1x1xf32, #tpu.memory_space<vmem>>, vector<1x1xf32>,
    } else {
    }
    %get3A_20 = arith.constant 0 : index
    %get3A_21 = arith.constant 0 : index
    %get3A_22 = vector.load %arg3[%get3A_20, %get3A_21] : memref<1x1xf32, #tpu.memory_space<vmem>>, vector<1x1xf32>
    %add3A_23 = arith.addf %get3A_22, %reshape3A : vector<1x1xf32>
    %swap3A = arith.constant 0 : index
    %swap3A_24 = arith.constant 0 : index
    %swap3A_25 = vector.load %arg3[%swap3A, %swap3A_24] : memref<1x1xf32, #tpu.memory_space<vmem>>, vector<1x1xf32>
    tpu.vector_store %arg3[%swap3A, %swap3A_24], %add3A_23 {strides = array<i32>} : memref<1x1xf32, #tpu.memory_space<vmem>>, vector<1x1xf32>,
    return
  }
  func.func @transform_0(%arg0: i32) -> (i32, i32, i32) {
    %add3A = arith.constant 7 : i32
    %add3A_0 = arith.addi %arg0, %add3A : i32
    %c0_i32 = arith.constant 0 : i32
    %c0_i32_1 = arith.constant 0 : i32
    %c0_i32_2 = arith.constant 0 : i32
    return %add3A_0, %c0_i32, %c0_i32_1 : i32, i32, i32
  }
  func.func @transform_1(%arg0: i32) -> (i32, i32, i32) {
    %add3A = arith.constant 7 : i32
    %add3A_0 = arith.addi %arg0, %add3A : i32
    %c0_i32 = arith.constant 0 : i32
    %c0_i32_1 = arith.constant 0 : i32
    %c0_i32_2 = arith.constant 0 : i32
    return %add3A_0, %c0_i32, %c0_i32_1 : i32, i32, i32
  }
  func.func @transform_2(%arg0: i32) -> (i32, i32) {
    %c0_i32 = arith.constant 0 : i32
    %c0_i32_0 = arith.constant 0 : i32
    %c0_i32_1 = arith.constant 0 : i32
    return %c0_i32, %c0_i32_0 : i32, i32
  }
}

</mosaic_0001>

<sc_bundles>
// kernel: kernel.4.cloned.1.call-start
scs
__scs_entry_jumppad:
0x0: {  	(pc) =	sbr.rel $0x88, $3  }
0x1: {  	(tag) =	ssettag $0x0;
	lr =	simm.s32 $0x1  }
0x2: {  	[smem:$0x3F9F] =	sst lr;
	_ =	strace $0xD0000000  }
0x3: {  	_ = 	snop  }
0x4: {  	_ = 	snop  }
0x5: {  	_ = 	snop  }
0x6: {  	_ = 	snop  }
0x7: {  	_ = 	snop  }
__scs_overlays_trampoline_lowered:
0x8: {  	[smem:$0x3FAE] =	sst s0  }
0x9: {  	[smem:$0x3FAF] =	sst s1  }
0xa: {  	[smem:$0x3FB0] =	sst s2  }
0xb: {  	[smem:$0x3FB1] =	sst s3  }
0xc: {  	[smem:$0x3FB2] =	sst s4  }
0xd: {  	[smem:$0x3FB3] =	sst s5  }
0xe: {  	[smem:$0x3FB4] =	sst s6  }
0xf: {  	[smem:$0x3FB5] =	sst s7  }
0x10: {  	[smem:$0x3FB6] =	sst s8  }
0x11: {  	[smem:$0x3FB7] =	sst s9;
	s0 =	simm.s32 @!p0 $0x0  }
0x12: {  	s1 =	sld [smem:$0x3F9D];
	s0 =	simm.s32 @p0 $0x1  }
0x13: {  	[smem:$0x3FB8] =	sst s0;
	s0 =	simm.s32 @!p1 $0x0  }
0x14: {  	s2 =	sld [smem:$0x3F9C];
	s0 =	simm.s32 @p1 $0x1  }
0x15: {  	[smem:$0x3FB9] =	sst s0;
	s0 =	simm.s32 @!p2 $0x0  }
0x16: {  	s3 =	sld [smem:$0x3FDB];
	s0 =	simm.s32 @p2 $0x1  }
0x17: {  	s4 =	simm.s32 $0x1BF5;
	[smem:$0x3FBB] =	sst s0  }
0x18: {  	s0 =	sld [smem:$0x3F9E];
	_ =	swait.ge [sflag:s4], $0x0  }
0x19: {  	s7 =	sld [smem:$0x3F9F]  }
0x1a: {  	s8 =	sadd.s32 $0xFFFFE003, lr  }
0x1b: {  	s9 =	sadd.s32 $0xFFFFFEF7, lr;
	s5 =	simm.s32 $0xFFFFFFFF;
	p2 =	slt.u32 s8, $0xFFFFF086  }
0x1c: {  	p1 =	slt.u32 s9, $0xF7A;
	s5 =	simm.s32 @!p2 $0x0  }
0x1d: {  	s5 =	simm.s32 @p1 $0x1;
	p0 =	seq.s32 s7, s2  }
0x1e: {  	s7 =	smul.u32 @!p0 $0xF7A, s2;
	p2 =	seq.s32 @!p0 s5, $0x0  }
0x1f: {  	s9 =	smul.u32 $0xF7A, s1;
	s8 =	simm.s32 @!p0 $0x1BF5;
	p2 =	por !p2, p0  }
0x20: {  	[sflag:s8] =	ssyncset.s32 @!p0 $0xFFFFF086;
	s6 =	sadd.s32 @!p0 s3, s7;
	s7 =	simm.s32 @!p0 $0x108  }
0x21: {  	s3 =	sadd.s32 s3, s9;
	s6 =	sadd.s32 @!p0 $0x88, s6;
	s7 =	simm.s32 @p2 $0x1082  }
0x22: {  	[simem:s7], [sflag:s8] =	dma.local @!p0 [hbm:s6], $0xF7A  }
0x23: {  	s9 =	sor.u32 $0xD0000000, s2;
	s6 =	simm.s32 $0x108;
	_ =	swait.ge @!p0 [sflag:s8], $0x0  }
0x24: {  	s3 =	sadd.s32 $0x88, s3;
	s6 =	simm.s32 @!p1 $0x1082;
	[sflag:s4] =	ssyncset.s32 $0xFFFFF086  }
0x25: {  	[simem:s6], [sflag:s4] =	dma.local [hbm:s3], $0xF7A  }
0x26: {  	[smem:$0x3F9F] =	sst s1;
	(tag) =	ssettag s2;
	_ =	strace s9  }
0x27: {  	s1 =	sld [smem:$0x3FAF]  }
0x28: {  	s2 =	sld [smem:$0x3FB0]  }
0x29: {  	s4 =	sld [smem:$0x3FB2]  }
0x2a: {  	p0 =	seq.s32 s5, $0x0;
	s5 =	sld [smem:$0x3FB3]  }
0x2b: {  	s6 =	sld [smem:$0x3FB4]  }
0x2c: {  	s7 =	sld [smem:$0x3FB5]  }
0x2d: {  	s3 =	simm.s32 $0x108;
	s8 =	sld [smem:$0x3FB6]  }
0x2e: {  	s3 =	simm.s32 @!p0 $0x1082;
	s9 =	sld [smem:$0x3FB7]  }
0x2f: {  	lr =	sadd.s32 s0, s3;
	s0 =	sld [smem:$0x3FAE]  }
0x30: {  	s3 =	sld [smem:$0x3FB1]  }
0x31: {  	[smem:$0x3FBA] =	sst s10  }
0x32: {  	s10 =	sld [smem:$0x3FB8];
	_ =	sdelay $0x3  }
0x33: {  	p0 =	seq.s32 s10, $0x1;
	s10 =	sld [smem:$0x3FBA];
	_ =	sdelay $0x3  }
0x34: {  	[smem:$0x3FBA] =	sst s10  }
0x35: {  	s10 =	sld [smem:$0x3FB9];
	_ =	sdelay $0x3  }
0x36: {  	p1 =	seq.s32 s10, $0x1;
	s10 =	sld [smem:$0x3FBA];
	_ =	sdelay $0x3  }
0x37: {  	[smem:$0x3FBA] =	sst s10  }
0x38: {  	s10 =	sld [smem:$0x3FBB]  }
0x39: {  	_ = 	snop;
	(pc) =	sbr.ind lr, $3  }
0x3a: {  	_ = 	snop  }
0x3b: {  	_ = 	snop  }
0x3c: {  	p2 =	seq.s32 s10, $0x1;
	s10 =	sld [smem:$0x3FBA]  }
0x3d: {  	_ =	shalt  }
0x3e: {  	_ =	shalt  }
0x3f: {  	_ =	shalt  }
0x40: {  	_ =	shalt  }
0x41: {  	_ =	shalt  }
0x42: {  	_ =	shalt  }
0x43: {  	_ =	shalt  }
0x44: {  	_ =	shalt  }
0x45: {  	_ =	shalt  }
0x46: {  	_ =	shalt  }
0x47: {  	_ =	shalt  }
0x48: {  	_ =	shalt  }
0x49: {  	_ =	shalt  }
0x4a: {  	_ =	shalt  }
0x4b: {  	_ =	shalt  }
0x4c: {  	_ =	shalt  }
0x4d: {  	_ =	shalt  }
0x4e: {  	_ =	shalt  }
0x4f: {  	_ =	shalt  }
0x50: {  	_ =	shalt  }
0x51: {  	_ =	shalt  }
0x52: {  	_ =	shalt  }
0x53: {  	_ =	shalt  }
0x54: {  	_ =	shalt  }
0x55: {  	_ =	shalt  }
0x56: {  	_ =	shalt  }
0x57: {  	_ =	shalt  }
0x58: {  	_ =	shalt  }
0x59: {  	_ =	shalt  }
0x5a: {  	_ =	shalt  }
0x5b: {  	_ =	shalt  }
0x5c: {  	_ =	shalt  }
0x5d: {  	_ =	shalt  }
0x5e: {  	_ =	shalt  }
0x5f: {  	_ =	shalt  }
0x60: {  	_ =	shalt  }
0x61: {  	_ =	shalt  }
0x62: {  	_ =	shalt  }
0x63: {  	_ =	shalt  }
0x64: {  	_ =	shalt  }
0x65: {  	_ =	shalt  }
0x66: {  	_ =	shalt  }
0x67: {  	_ =	shalt  }
0x68: {  	_ =	shalt  }
0x69: {  	_ =	shalt  }
0x6a: {  	_ =	shalt  }
0x6b: {  	_ =	shalt  }
0x6c: {  	_ =	shalt  }
0x6d: {  	_ =	shalt  }
0x6e: {  	_ =	shalt  }
0x6f: {  	_ =	shalt  }
0x70: {  	_ =	shalt  }
0x71: {  	_ =	shalt  }
0x72: {  	_ =	shalt  }
0x73: {  	_ =	shalt  }
0x74: {  	_ =	shalt  }
0x75: {  	_ =	shalt  }
0x76: {  	_ =	shalt  }
0x77: {  	_ =	shalt  }
0x78: {  	_ =	shalt  }
0x79: {  	_ =	shalt  }
0x7a: {  	_ =	shalt  }
0x7b: {  	_ =	shalt  }
0x7c: {  	_ =	shalt  }
0x7d: {  	_ =	shalt  }
0x7e: {  	_ =	shalt  }
0x7f: {  	_ =	shalt  }
0x80: {  	_ =	shalt  }
0x81: {  	_ =	shalt  }
0x82: {  	_ =	shalt  }
0x83: {  	_ =	shalt  }
0x84: {  	_ =	shalt  }
0x85: {  	_ =	shalt  }
0x86: {  	_ =	shalt  }
0x87: {  	_ =	shalt  }
.Lfunc_end0:
.L_simem_size_0:
called_computation_lowered:
.L_overlay_start_0:
0x88: {  	s2 =	sld [smem:$0x3FD9]  }
0x89: {  	s3 =	sld [smem:$0x3FFE];
	_ =	sdelay $0x1  }
0x8a: {  	s1 =	srdreg.scid  }
0x8b: {  	s0 =	sand.u32 $0x1, s1  }
0x8c: {  	s17 =	sshll.u32 s0, $0xA;
	s2 =	sadd.s32 s3, s2  }
0x8d: {  	s2 =	sadd.s32 s2, s17  }
0x8e: {  	[smem:$0x3FC6] =	sst s2  }
0x8f: {  	_ = 	snop  }
0x90: {  	s2 =	sld [smem:$0x3FC9]  }
0x91: {  	s18 =	sld [smem:$0x3FC8];
	(tm) =	ssettm $0x1  }
0x92: {  	s4 =	sld [smem:$0x3FFB];
	_ =	sdelay $0x3  }
0x93: {  	_ =	strace s4  }
0x94: {  	s4 =	sld [smem:$0x3FFC];
	_ =	sdelay $0x3  }
0x95: {  	_ =	strace s4  }
0x96: {  	s4 =	sld [smem:$0x3FFD];
	_ =	sdelay $0x3  }
0x97: {  	_ =	strace s4  }
0x98: {  	_ =	strace $0x8FFFFFFF  }
0x99: {  	s19 =	sld [smem:$0x3FDB];
	_ =	sdelay $0x1  }
0x9a: {  	s5 =	simm.s32 $_scs_section_size  }
0x9b: {  	s6 =	simm.s32 $_size__tile_overlayer_lowered;
	s7 =	simm.s32 $_tile_overlayer_lowered  }
0x9c: {  	s22 =	simm.s32 $0x1BFF;
	s21 =	sshll.u32 s7, $0x1;
	s4 =	sadd.s32 s5, s19  }
0x9d: {  	s8 =	simm.s32 $0x0;
	s20 =	sshll.u32 s6, $0x1;
	s6 =	sadd.s32 s21, s4  }
0x9e: {  	[timem:s8], [sflag:s22] =	dma.local [hbm:s6], s20  }
0x9f: {  	_ =	swait.ge [sflag:s22], s20  }
0xa0: {  	s5 =	ssub.s32 $0x0, s20;
	[sflag:s22] =	ssyncset.done $0x0  }
0xa1: {  	[sflag:s22] =	ssyncadd.s32 s5;
	_ =	sdelay $0x1  }
0xa2: {  	s23 =	simm.s32 $0x1B8B  }
0xa3: {  	_ =	swait.ge [sflag:s23], $0x1  }
0xa4: {  	[sflag:s23] =	ssyncset.done $0x0  }
0xa5: {  	s25 =	simm.s32 $0x1B8E;
	s24 =	sld [smem:$0x3FFE];
	[sflag:s23] =	ssyncadd.s32 $0xFFFFFFFF  }
0xa6: {  	s26 =	simm.s32 $execute0_lowered;
	[smem:$0x3FD2] =	sst s25  }
0xa7: {  	s6 =	sshll.u32 s26, $0x1;
	_ =	strace $0x80000046;
	[dreg:$0x1] =	wrdreg $0xFFFFFFFF  }
0xa8: {  	s28 =	simm.s32 $_size_execute0_lowered;
	s4 =	sadd.s32 s4, s6;
	[dreg:$0x0] =	wrdreg $0x0  }
0xa9: {  	s6 =	sshll.u32 s28, $0x1;
	[dreg:$0x2] =	wrdreg s4  }
0xaa: {  	[dreg:$0x3] =	wrdreg s6  }
0xab: {  	[dreg:$0x4] =	wrdreg $0xC0  }
0xac: {  	_ =	task [dreg:s8], $0x5FFFF  }
0xad: {  	[dreg:$0x1] =	wrdreg $0xFFFFFFFF  }
0xae: {  	[dreg:$0x0] =	wrdreg $0x60  }
0xaf: {  	[dreg:$0x2] =	wrdreg s2  }
0xb0: {  	[dreg:$0x3] =	wrdreg s18  }
0xb1: {  	[dreg:$0x4] =	wrdreg s24  }
0xb2: {  	[dreg:$0x5] =	wrdreg $0x9  }
0xb3: {  	_ =	task.clear_ibuf [dreg:s8], $0x6FFFF;
	_ =	strace $0x90000046  }
0xb4: {  	s29 =	simm.s32 $0x9;
	_ =	strace $0x8000004E  }
0xb5: {  	_ =	swait.ge [sflag:s29], $0x1  }
0xb6: {  	[sflag:s29] =	ssyncadd.s32 $0xFFFFFFFF  }
0xb7: {  	_ =	strace $0x9000004E  }
0xb8: {  	_ =	sfence  }
0xb9: {  	s30 =	sld [smem:$0x0];
	_ =	sdelay $0x2  }
0xba: {  	s31 =	sshll.u32 s1, $0xD;
	s1 =	sshrl.u32 s1, $0x2  }
0xbb: {  	s3 =	sand.u32 $0x4000, s31;
	s1 =	sadd.s32 s1, s30  }
0xbc: {  	s0 =	sor.u32 s3, s0;
	s1 =	sshll.u32 s1, $0x11  }
0xbd: {  	s0 =	sor.u32 s1, s0  }
0xbe: {  	s0 =	sadd.s32 $0x8F2B, s0  }
0xbf: {  	[sflag:s0] =	ssyncadd.remote.s32 $0x1  }
0xc0: {  	_ =	sfence.sel $0xFFFF  }
0xc1: {  	[dreg:$0x0] =	wrdreg $0xFFFFFFFF;
	(pc) =	sbr.abs _section_cstart, $3  }
0xc2: {  	[dreg:$0x1] =	wrdreg $0xFFFFFFFF  }
0xc3: {  	_ =	task.clear_ibuf [dreg:s8], $0x2FFFF;
	_ =	strace $0x9FFFFFFF  }
0xc4: {  	(tm) =	ssettm $0x7FFFFFFF  }
0xc5: {  	_ =	shalt  }
tec
execute0_lowered:
.L_overlay_start_1:
0x0: {  	(tag) =	ssettag $0x1  }
0x1: {  	s0 =	rddreg [dreg:$0x0]  }
0x2: {  	s1 =	srdreg.scid;
	s3 =	rddreg [dreg:$0x1]  }
0x3: {  	s8 =	rddreg [dreg:$0x2];
	s2 =	stileid.u32;
	s4 =	simm.s32 $0x0  }
0x4: {  	s12 =	simm.s32 $0x1;
	s5 =	sand.u32 $0x1, s1;
	s1 =	rddreg [dreg:$0x3]  }
0x5: {  	s13 =	simm.s32 $0x0;
	[smem:$0x7FF] =	sst s4;
	s9 =	sshll.u32 s5, $0x4  }
0x6: {  	s11 =	sshll.u32 s2, $0x5;
	s5 =	ssub.s32 $0x2, s5;
	s6 =	sor.u32 s2, s9  }
0x7: {  	_ =	strace $0x80000047;
	s10 =	sshrl.u32 s5, $0x1;
	s7 =	smul.u32 $0x7000, s6  }
0x8: {  	s8 =	sadd.s32 s8, s9;
	s10 =	ssub.s32 s5, s10;
	s5 =	smul.u32 $0xE, s6  }
0x9: {  	s8 =	sadd.s32 s11, s8;
	s11 =	simm.s32 $0x8080;
	s9 =	smax.u32 s10, $0x1  }
0xa: {  	s10 =	simm.s32 $0x80;
	s6 =	sadd.s32 s0, s7;
	s7 =	sadd.s32 s3, s7  }
.LBB2_1:
0xb: {  	v0 =	vimm.f32 $0.0e+00  }
0xc: {  	[tilespmem:$0x0] =	vst v0  }
0xd: {  	s20 =	simm.s32 $0x0;
	_ =	strace $0x80000048  }
0xe: {  	[tilespmem:s10], [sflag:$0x1] =	stream.linear.gather [hbm4b:s6+s4], $0x4000, $0x200038;
	[tilespmem:$0x10080] =	vst v63  }
0xf: {  	s14 =	simm.s32 $0x0;
	s15 =	simm.s32 $0x1;
	s16 =	simm.s32 $0x0  }
0x10: {  	[tilespmem:s11], [sflag:$0x3] =	stream.linear.gather [hbm4b:s7+s4], $0x4000, $0x200038;
	[tilespmem:$0x10080] =	vst v63  }
0x11: {  	s17 =	simm.s32 $0x1;
	s18 =	simm.s32 $0x0;
	_ =	strace $0x90000048  }
.LBB2_2:
0x12: {  	s19 =	sadd.s32 $0x1, s20  }
0x13: {  	p0 =	seq.s32 s19, $0xE  }
0x14: {  	s19 =	simm.s32 @p0 $0x0;
	p0 =	seq.s32 s18, $0xD  }
0x15: {  	p1 =	seq.s32 @!p0 s20, s19  }
0x16: {  	p2 =	por p1, p0  }
0x17: {  	s21 =	sadd.s32 @!p2 s5, s19  }
0x18: {  	s22 =	sand.u32 @!p2 $0x1, s17;
	_ =	strace @!p2 $0x80000049;
	s21 =	sshll.u32 @!p2 s21, $0xB  }
0x19: {  	s26 =	simm.s32 @!p2 $0x0;
	s23 =	sshll.u32 @!p2 s22, $0xE;
	s21 =	sand.u32 @!p2 $0x1FFFF800, s21  }
0x1a: {  	s22 =	sadd.s32 @!p2 $0x1, s22;
	s23 =	sor.u32 @!p2 $0x80, s23;
	s25 =	sadd.s32 @!p2 s0, s21  }
0x1b: {  	[tilespmem:s23], [sflag:s22] =	stream.linear.gather @!p2 [hbm4b:s25+s26], $0x4000, $0x200038;
	[tilespmem:$0x10080] =	vst v63  }
0x1c: {  	s22 =	sand.u32 @!p2 $0x1, s15  }
0x1d: {  	s21 =	sadd.s32 @!p2 s3, s21;
	_ =	strace @!p2 $0x90000049;
	s23 =	sshll.u32 @!p2 s22, $0xE  }
0x1e: {  	s22 =	sadd.s32 @!p2 $0x3, s22;
	_ =	strace @!p2 $0x8000004A;
	s23 =	sor.u32 @!p2 $0x8080, s23  }
0x1f: {  	[tilespmem:s23], [sflag:s22] =	stream.linear.gather @!p2 [hbm4b:s21+s26], $0x4000, $0x200038;
	[tilespmem:$0x10080] =	vst v63  }
0x20: {  	s21 =	sand.u32 $0x1, s16;
	_ =	strace @!p2 $0x9000004A  }
0x21: {  	s26 =	sadd.s32 $0x1, s21;
	_ =	strace $0x8000004B  }
0x22: {  	_ =	swait.ge [sflag:s26], $0x4000  }
0x23: {  	[sflag:s26] =	ssyncset.done $0x0  }
0x24: {  	[sflag:s26] =	ssyncadd.s32 $0xFFFFC000  }
0x25: {  	s28 =	sand.u32 $0x1, s14;
	_ =	strace $0x9000004B  }
0x26: {  	s29 =	sadd.s32 $0x3, s28;
	_ =	strace $0x8000004C  }
0x27: {  	_ =	swait.ge [sflag:s29], $0x4000  }
0x28: {  	[sflag:s29] =	ssyncset.done $0x0  }
0x29: {  	[sflag:s29] =	ssyncadd.s32 $0xFFFFC000  }
0x2a: {  	s30 =	sshll.u32 s16, $0xE;
	_ =	strace $0x9000004C  }
0x2b: {  	s31 =	sshll.u32 s14, $0xE;
	s23 =	sand.u32 $0x4000, s30;
	_ =	strace $0x8000004D  }
0x2c: {  	s25 =	sand.u32 $0x4000, s31;
	v0 =	vld [tilespmem:s23+$0x80]  }
0x2d: {  	v1 =	vld [tilespmem:s25+$0x8080]  }
0x2e: {  	v2 =	vld [tilespmem:s23+$0x90]  }
0x2f: {  	v3 =	vld [tilespmem:s25+$0x8090]  }
0x30: {  	v4 =	vld [tilespmem:s23+$0xA0]  }
0x31: {  	v5 =	vld [tilespmem:s25+$0x80A0]  }
0x32: {  	v6 =	vld [tilespmem:s23+$0xB0]  }
0x33: {  	v7 =	vld [tilespmem:s25+$0x80B0]  }
0x34: {  	v8 =	vld [tilespmem:s23+$0xC0]  }
0x35: {  	v10 =	vld [tilespmem:s25+$0x80C0]  }
0x36: {  	v11 =	vld [tilespmem:s23+$0xD0]  }
0x37: {  	v13 =	vld [tilespmem:s25+$0x80D0]  }
0x38: {  	v15 =	vld [tilespmem:s23+$0xE0]  }
0x39: {  	v16 =	vld [tilespmem:s25+$0x80E0]  }
0x3a: {  	v17 =	vld [tilespmem:s23+$0xF0]  }
0x3b: {  	v18 =	vld [tilespmem:s25+$0x80F0]  }
0x3c: {  	v19 =	vld [tilespmem:s23+$0x100]  }
0x3d: {  	v20 =	vld [tilespmem:s25+$0x8100]  }
0x3e: {  	v21 =	vld [tilespmem:s23+$0x110]  }
0x3f: {  	v22 =	vld [tilespmem:s25+$0x8110]  }
0x40: {  	v23 =	vld [tilespmem:s23+$0x120]  }
0x41: {  	v24 =	vld [tilespmem:s25+$0x8120]  }
0x42: {  	v25 =	vld [tilespmem:s23+$0x130]  }
0x43: {  	v26 =	vld [tilespmem:s25+$0x8130]  }
0x44: {  	v27 =	vld [tilespmem:s23+$0x140]  }
0x45: {  	v28 =	vld [tilespmem:s25+$0x8140]  }
0x46: {  	v29 =	vld [tilespmem:s23+$0x150]  }
0x47: {  	v30 =	vld [tilespmem:s25+$0x8150]  }
0x48: {  	v31 =	vld [tilespmem:s23+$0x160]  }
0x49: {  	v32 =	vld [tilespmem:s25+$0x8160]  }
0x4a: {  	s22 =	sshll.u32 s28, $0xE;
	v33 =	vld [tilespmem:s23+$0x170]  }
0x4b: {  	s22 =	sor.u32 $0x81C0, s22;
	v34 =	vld [tilespmem:s25+$0x8170]  }
0x4c: {  	v35 =	vld [tilespmem:s22+$0x60]  }
0x4d: {  	v37 =	vld [tilespmem:s22+$0xC0]  }
0x4e: {  	s21 =	sshll.u32 s21, $0xE;
	v41 =	vld [tilespmem:s22+$0xFFFFFFF0]  }
0x4f: {  	s23 =	sor.u32 $0x1C0, s21;
	v45 =	vld [tilespmem:s22+$0xFFFFFFC0]  }
0x50: {  	v36 =	vld [tilespmem:s23+$0x60]  }
0x51: {  	v38 =	vld [tilespmem:s23+$0xFFFFFFC0]  }
0x52: {  	v55 =	vsub.f32 v0, v1;
	v53 =	vsub.f32 v2, v3;
	v0 =	vld [tilespmem:s22+$0xF0]  }
0x53: {  	v62 =	vsub.f32 v4, v5;
	v47 =	vsub.f32 v6, v7;
	v1 =	vld [tilespmem:s23+$0xF0]  }
0x54: {  	v50 =	vsub.f32 v8, v10;
	v13 =	vsub.f32 v11, v13;
	v2 =	vld [tilespmem:s22+$0x130]  }
0x55: {  	v11 =	vsub.f32 v15, v16;
	v9 =	vsub.f32 v17, v18;
	v3 =	vld [tilespmem:s23+$0x130]  }
0x56: {  	v16 =	vsub.f32 v19, v20;
	v15 =	vsub.f32 v21, v22;
	v5 =	vld [tilespmem:s22+$0xB0]  }
0x57: {  	v40 =	vsub.f32 v23, v24;
	v14 =	vsub.f32 v25, v26;
	v6 =	vld [tilespmem:s23+$0xB0]  }
0x58: {  	v39 =	vsub.f32 v27, v28;
	v54 =	vsub.f32 v29, v30;
	v7 =	vld [tilespmem:s22+$0x30]  }
0x59: {  	v22 =	vsub.f32 v31, v32;
	v12 =	vsub.f32 v33, v34;
	v8 =	vld [tilespmem:s23+$0x30]  }
0x5a: {  	v17 =	vld [tilespmem:s22+$0x100];
	v21 =	vsub.f32 v36, v35;
	v38 =	vsub.f32 v38, v45  }
0x5b: {  	v29 =	vadd.f32 v40, v40;
	v10 =	vsub.f32 v1, v0;
	v0 =	vld [tilespmem:s23+$0x100]  }
0x5c: {  	v24 =	vadd.f32 v14, v14;
	v31 =	vadd.f32 v39, v39;
	v1 =	vld [tilespmem:s22+$0x80]  }
0x5d: {  	v36 =	vadd.f32 v54, v54;
	v4 =	vsub.f32 v3, v2;
	v2 =	vld [tilespmem:s23+$0x80]  }
0x5e: {  	v20 =	vsub.f32 v6, v5;
	v3 =	vsub.f32 v8, v7;
	v6 =	vld [tilespmem:s22+$0x110]  }
0x5f: {  	v25 =	vadd.f32 v21, v21;
	v34 =	vadd.f32 v21, v40;
	v8 =	vld [tilespmem:s23+$0x110]  }
0x60: {  	v59 =	vld [tilespmem:s23+$0x50];
	v5 =	vadd.f32 v12, v12;
	v23 =	vadd.f32 v3, v9  }
0x61: {  	v28 =	vld [tilespmem:s22+$0xA0];
	v7 =	vadd.f32 v20, v12;
	v19 =	vadd.f32 v20, v20  }
0x62: {  	v5 =	vsub.f32 v5, v23;
	v23 =	vld [tilespmem:s22+$0x50];
	v18 =	vsub.f32 v0, v17  }
0x63: {  	v0 =	vld [tilespmem:s23+$0xA0];
	v17 =	vadd.f32 v3, v3;
	v3 =	vadd.f32 v4, v3  }
0x64: {  	v27 =	vsub.f32 v2, v1;
	v1 =	vld [tilespmem:s22+$0x120];
	v30 =	vsub.f32 v8, v6  }
0x65: {  	v26 =	vimm.f32 $0.0e+00;
	v8 =	vadd.f32 v15, v15;
	v2 =	vsub.f32 v17, v7;
	v7 =	vld [tilespmem:s23+$0x120]  }
0x66: {  	v6 =	vld [tilespmem:s23+$0x20];
	v5 =	vand.u32 $0x7FFFFFFF, v5;
	v3 =	vsub.f32 v19, v3;
	v35 =	vadd.f32 v27, v39  }
0x67: {  	v19 =	vld [tilespmem:s22+$0x20];
	v5 =	vadd.f32 v5, v26;
	v46 =	vsub.f32 v59, v23  }
0x68: {  	[tilespmem:$0x1FF40] =	vst v39;
	v39 =	vld [tilespmem:s23+$0xC0];
	v28 =	vsub.f32 v0, v28;
	v0 =	vand.u32 $0x7FFFFFFF, v2;
	v2 =	vadd.f32 v16, v16  }
0x69: {  	v23 =	vld [tilespmem:s23+$0xFFFFFFF0];
	v0 =	vadd.f32 v0, v5;
	v48 =	vadd.f32 v46, v46  }
0x6a: {  	v5 =	vld [tilespmem:s22+$0x10];
	v33 =	vsub.f32 v7, v1;
	v7 =	vadd.f32 v22, v22  }
0x6b: {  	[tilespmem:$0x1FF50] =	vst v40;
	v1 =	vand.u32 $0x7FFFFFFF, v3;
	v3 =	vld [tilespmem:s23+$0x10];
	v60 =	vadd.f32 v28, v22;
	v40 =	vadd.f32 v28, v28  }
0x6c: {  	v17 =	vadd.f32 v1, v0;
	v0 =	vld [tilespmem:s22+$0x0];
	v1 =	vsub.f32 v6, v19  }
0x6d: {  	v37 =	vsub.f32 v39, v37;
	v6 =	vadd.f32 v27, v27;
	v19 =	vld [tilespmem:s23+$0x0]  }
0x6e: {  	v59 =	vsub.f32 v23, v41;
	v42 =	vadd.f32 v1, v11  }
0x6f: {  	v61 =	vadd.f32 v1, v1;
	v1 =	vadd.f32 v33, v1  }
0x70: {  	v52 =	vadd.f32 v59, v47;
	v3 =	vsub.f32 v3, v5  }
0x71: {  	v43 =	vld [tilespmem:s22+$0xFFFFFFE0];
	v5 =	vsub.f32 v7, v42;
	v42 =	vadd.f32 v46, v15  }
0x72: {  	v44 =	vld [tilespmem:s22+$0xFFFFFFD0];
	v32 =	vsub.f32 v61, v60;
	v19 =	vsub.f32 v19, v0  }
0x73: {  	v7 =	vld [tilespmem:s23+$0xFFFFFFE0];
	v40 =	vsub.f32 v40, v1;
	v63 =	vadd.f32 v3, v13  }
0x74: {  	v0 =	vld [tilespmem:s23+$0xFFFFFFD0];
	v51 =	vadd.f32 v30, v3;
	v5 =	vand.u32 $0x7FFFFFFF, v5;
	v23 =	vadd.f32 v18, v19  }
0x75: {  	v5 =	vadd.f32 v5, v26;
	v56 =	vadd.f32 v19, v19  }
0x76: {  	v41 =	vld [tilespmem:s22+$0x90];
	v36 =	vsub.f32 v36, v63;
	v63 =	vadd.f32 v3, v3  }
0x77: {  	[tilespmem:$0x1FF20] =	vst v12;
	v3 =	vadd.f32 v37, v38;
	v49 =	vsub.f32 v6, v23;
	v6 =	vld [tilespmem:s23+$0x90]  }
0x78: {  	v45 =	vld [tilespmem:s22+$0x70];
	[tilespmem:$0x1FF30] =	vst v9;
	v32 =	vand.u32 $0x7FFFFFFF, v32;
	v57 =	vsub.f32 v7, v43;
	v7 =	vadd.f32 v38, v55  }
0x79: {  	[tilespmem:$0x1FFB0] =	vst v55;
	v39 =	vld [tilespmem:s23+$0xE0];
	v55 =	vadd.f32 v32, v5;
	v60 =	vsub.f32 v0, v44  }
0x7a: {  	[tilespmem:$0x1FF60] =	vst v22;
	v43 =	vld [tilespmem:s22+$0x40];
	v0 =	vadd.f32 v10, v59;
	v2 =	vsub.f32 v2, v7  }
0x7b: {  	[tilespmem:$0x1FFA0] =	vst v53;
	v7 =	vadd.f32 v19, v50;
	v1 =	vadd.f32 v60, v53;
	v53 =	vld [tilespmem:s23+$0x40]  }
0x7c: {  	[tilespmem:$0x1FF70] =	vst v11;
	v58 =	vadd.f32 v60, v60;
	v23 =	vsub.f32 v6, v41;
	v6 =	vld [tilespmem:s22+$0xE0]  }
0x7d: {  	[tilespmem:$0x1FF80] =	vst v13;
	v41 =	vld [tilespmem:s23+$0x70];
	v32 =	vsub.f32 v8, v1;
	v1 =	vand.u32 $0x7FFFFFFF, v2;
	v2 =	vadd.f32 v57, v57  }
0x7e: {  	[tilespmem:$0x1FFC0] =	vst v50;
	v8 =	vadd.f32 v38, v38;
	v50 =	vsub.f32 v58, v42  }
0x7f: {  	[tilespmem:$0x1FF90] =	vst v47;
	v58 =	vand.u32 $0x7FFFFFFF, v40;
	v38 =	vimm.f32 $0.0e+00;
	v40 =	vimm.f32 $0.0e+00  }
0x80: {  	p1 =	por !p1, p0;
	s25 =	sadd.s32 @!p2 $0x1, s17;
	s21 =	simm.s32 $0x0;
	[tilespmem:$0x1FFD0] =	vst v62;
	v61 =	vadd.f32 v1, v26;
	v5 =	vadd.f32 v23, v23;
	v19 =	vand.u32 $0x7FFFFFFF, v32  }
0x81: {  	s24 =	smov.u32 s17;
	s17 =	smov.u32 @p1 s25;
	s21 =	simm.s32 @p1 $0x1;
	[tilespmem:$0x1FFE0] =	vst v54;
	v42 =	vmovc v54;
	v1 =	vand.u32 $0x7FFFFFFF, v36;
	v47 =	vadd.f32 v19, v26;
	v36 =	vsub.f32 v53, v43;
	v53 =	vld [tilespmem:s23+$0xD0]  }
0x82: {  	s17 =	smov.u32 @p0 s24;
	s21 =	simm.s32 @p0 $0x0;
	s24 =	simm.s32 $0x2;
	[tilespmem:$0x1FFF0] =	vst v14;
	v43 =	vmovc v16;
	v44 =	vsub.f32 v39, v6;
	v32 =	vsub.f32 v41, v45;
	v6 =	vld [tilespmem:s22+$0xD0];
	v41 =	vmovc v62;
	v45 =	vimm.f32 $0.0e+00  }
.LBB2_3:
0x83: {  	v22 =	vmovc v10;
	v54 =	vmov v33;
	v33 =	vmov v30;
	v19 =	vmov v4  }
0x84: {  	s24 =	sadd.s32 $0x3, s24;
	v4 =	vadd.f32 v57, v41;
	v10 =	vand.u32 $0x7FFFFFFF, v50;
	v9 =	vadd.f32 v23, v42;
	s23 =	sadd.s32 $0x180, s23;
	s22 =	sadd.s32 $0x180, s22;
	v41 =	vmovc v21;
	v11 =	vmovc v19  }
0x85: {  	v21 =	vadd.f32 v59, v59;
	v12 =	vmovc v20;
	v30 =	vmovc v18;
	p1 =	slt.u32 s24, $0x7D;
	v10 =	vadd.f32 v10, v47;
	v47 =	vmov v27  }
0x86: {  	v59 =	vmovc v28;
	v20 =	vadd.f32 v36, v43;
	v42 =	vmovc v33;
	v62 =	vmov v54;
	v4 =	vsub.f32 v29, v4  }
0x87: {  	v28 =	vadd.f32 v44, v57;
	v50 =	vmovc v46;
	v27 =	vadd.f32 v32, v14;
	v14 =	vmovc v22;
	v43 =	vmov v37  }
0x88: {  	v8 =	vsub.f32 v8, v20;
	v57 =	vsub.f32 v53, v6  }
0x89: {  	v6 =	vsub.f32 v31, v7;
	v7 =	vadd.f32 v36, v36  }
0x8a: {  	v9 =	vsub.f32 v63, v9;
	v4 =	vand.u32 $0x7FFFFFFF, v4;
	v20 =	vadd.f32 v57, v60  }
0x8b: {  	v21 =	vsub.f32 v21, v27;
	v27 =	vadd.f32 v32, v32;
	v8 =	vand.u32 $0x7FFFFFFF, v8  }
0x8c: {  	v5 =	vsub.f32 v5, v51;
	v6 =	vand.u32 $0x7FFFFFFF, v6;
	v3 =	vsub.f32 v7, v3  }
0x8d: {  	v21 =	vand.u32 $0x7FFFFFFF, v21;
	v7 =	vadd.f32 v1, v26;
	v8 =	vadd.f32 v8, v61  }
0x8e: {  	v0 =	vsub.f32 v27, v0;
	v6 =	vadd.f32 v6, v45;
	v3 =	vand.u32 $0x7FFFFFFF, v3  }
0x8f: {  	v1 =	vsub.f32 v56, v35;
	v26 =	vand.u32 $0x7FFFFFFF, v49;
	v20 =	vsub.f32 v48, v20  }
0x90: {  	v24 =	vsub.f32 v24, v52;
	v2 =	vsub.f32 v2, v34;
	v9 =	vand.u32 $0x7FFFFFFF, v9  }
0x91: {  	v25 =	vsub.f32 v25, v28;
	v27 =	vand.u32 $0x7FFFFFFF, v1;
	v20 =	vand.u32 $0x7FFFFFFF, v20  }
0x92: {  	v2 =	vand.u32 $0x7FFFFFFF, v2;
	v4 =	vadd.f32 v4, v38;
	v1 =	vand.u32 $0x7FFFFFFF, v24;
	v28 =	vld [tilespmem:s22+$0x60]  }
0x93: {  	v5 =	vand.u32 $0x7FFFFFFF, v5;
	v29 =	vadd.f32 v1, v40;
	v1 =	vadd.f32 v58, v55;
	v24 =	vld [tilespmem:s23+$0x60]  }
0x94: {  	v2 =	vadd.f32 v2, v4;
	v4 =	vadd.f32 v27, v6;
	v6 =	vand.u32 $0x7FFFFFFF, v0;
	v55 =	vld [tilespmem:s22+$0x90]  }
0x95: {  	v7 =	vadd.f32 v9, v7;
	v9 =	vand.u32 $0x7FFFFFFF, v25;
	v53 =	vadd.f32 v20, v10;
	v0 =	vld [tilespmem:s22+$0xC0]  }
0x96: {  	v38 =	vadd.f32 v9, v2;
	v10 =	vadd.f32 v21, v29;
	v56 =	vld [tilespmem:s23+$0xFFFFFFC0]  }
0x97: {  	v45 =	vadd.f32 v26, v4;
	v26 =	vadd.f32 v5, v7;
	v2 =	vld [tilespmem:s22+$0xF0]  }
0x98: {  	v61 =	vadd.f32 v3, v8;
	v40 =	vadd.f32 v6, v10;
	v4 =	vld [tilespmem:s23+$0xF0]  }
0x99: {  	v29 =	vadd.f32 v44, v44;
	v21 =	vsub.f32 v24, v28;
	v3 =	vld [tilespmem:s22+$0x130]  }
0x9a: {  	v5 =	vld [tilespmem:s23+$0x130]  }
0x9b: {  	v6 =	vld [tilespmem:s22+$0xB0]  }
0x9c: {  	v7 =	vld [tilespmem:s23+$0xB0]  }
0x9d: {  	v8 =	vld [tilespmem:s22+$0x30];
	v10 =	vsub.f32 v4, v2  }
0x9e: {  	v2 =	vld [tilespmem:s23+$0x30]  }
0x9f: {  	v9 =	vld [tilespmem:s22+$0x100];
	v4 =	vsub.f32 v5, v3  }
0xa0: {  	v3 =	vld [tilespmem:s23+$0x100]  }
0xa1: {  	v31 =	vadd.f32 v18, v18;
	v24 =	vadd.f32 v22, v14;
	v5 =	vld [tilespmem:s22+$0x80]  }
0xa2: {  	v25 =	vadd.f32 v21, v21;
	v20 =	vsub.f32 v7, v6;
	v22 =	vld [tilespmem:s23+$0x80]  }
0xa3: {  	v6 =	vadd.f32 v19, v11;
	v2 =	vsub.f32 v2, v8;
	v7 =	vld [tilespmem:s22+$0x110]  }
0xa4: {  	v8 =	vadd.f32 v20, v11;
	v19 =	vadd.f32 v20, v20;
	v11 =	vld [tilespmem:s23+$0x110]  }
0xa5: {  	v12 =	vadd.f32 v2, v12;
	v28 =	vld [tilespmem:s22+$0xA0];
	v18 =	vsub.f32 v3, v9  }
0xa6: {  	v9 =	vadd.f32 v2, v2;
	v2 =	vadd.f32 v4, v2;
	v3 =	vld [tilespmem:s23+$0xA0]  }
0xa7: {  	v6 =	vsub.f32 v6, v12;
	v27 =	vsub.f32 v22, v5;
	v5 =	vld [tilespmem:s22+$0x120]  }
0xa8: {  	v8 =	vsub.f32 v9, v8;
	v2 =	vsub.f32 v19, v2;
	v9 =	vld [tilespmem:s23+$0x120]  }
0xa9: {  	v12 =	vld [tilespmem:s22+$0x20];
	v6 =	vand.u32 $0x7FFFFFFF, v6;
	v35 =	vadd.f32 v27, v30;
	v30 =	vsub.f32 v11, v7  }
0xaa: {  	v34 =	vadd.f32 v21, v44;
	v7 =	vld [tilespmem:s23+$0x20];
	v6 =	vadd.f32 v6, v17  }
0xab: {  	v11 =	vadd.f32 v57, v57;
	v19 =	vld [tilespmem:s22+$0x50];
	v28 =	vsub.f32 v3, v28;
	v3 =	vand.u32 $0x7FFFFFFF, v8  }
0xac: {  	v8 =	vadd.f32 v37, v37;
	v22 =	vld [tilespmem:s23+$0x50];
	v3 =	vadd.f32 v3, v6  }
0xad: {  	v2 =	vand.u32 $0x7FFFFFFF, v2;
	v37 =	vadd.f32 v33, v42;
	v6 =	vld [tilespmem:s22+$0x10];
	v33 =	vsub.f32 v9, v5  }
0xae: {  	v9 =	vadd.f32 v54, v62;
	v5 =	vld [tilespmem:s23+$0x10];
	v17 =	vadd.f32 v2, v3  }
0xaf: {  	v2 =	vld [tilespmem:s22+$0x0];
	v3 =	vsub.f32 v7, v12;
	v7 =	vadd.f32 v27, v27  }
0xb0: {  	v44 =	vadd.f32 v28, v62;
	v54 =	vadd.f32 v28, v28;
	v12 =	vld [tilespmem:s23+$0x0]  }
0xb1: {  	v49 =	vld [tilespmem:s22+$0xFFFFFFF0];
	v48 =	vadd.f32 v3, v59;
	v46 =	vsub.f32 v22, v19  }
0xb2: {  	v22 =	vadd.f32 v3, v3;
	v3 =	vadd.f32 v33, v3;
	v19 =	vld [tilespmem:s23+$0xFFFFFFF0]  }
0xb3: {  	v52 =	vld [tilespmem:s22+$0xFFFFFFE0];
	v5 =	vsub.f32 v5, v6;
	v6 =	vsub.f32 v9, v48  }
0xb4: {  	v62 =	vadd.f32 v46, v57;
	v48 =	vadd.f32 v46, v46;
	v9 =	vld [tilespmem:s23+$0xFFFFFFE0]  }
0xb5: {  	v58 =	vld [tilespmem:s22+$0xFFFFFFD0];
	v12 =	vsub.f32 v12, v2;
	v2 =	vand.u32 $0x7FFFFFFF, v6;
	v6 =	vsub.f32 v22, v44  }
0xb6: {  	v23 =	vadd.f32 v5, v23;
	v51 =	vadd.f32 v30, v5;
	v22 =	vld [tilespmem:s23+$0xFFFFFFD0]  }
0xb7: {  	v44 =	vld [tilespmem:s22+$0xFFFFFFC0];
	v59 =	vsub.f32 v19, v49;
	v6 =	vand.u32 $0x7FFFFFFF, v6;
	v19 =	vadd.f32 v18, v12  }
0xb8: {  	v2 =	vadd.f32 v2, v1;
	v23 =	vsub.f32 v37, v23;
	v37 =	vld [tilespmem:s23+$0xC0]  }
0xb9: {  	v57 =	vsub.f32 v9, v52;
	v9 =	vld [tilespmem:s23+$0x90];
	v49 =	vsub.f32 v7, v19  }
0xba: {  	v63 =	vadd.f32 v5, v5;
	v52 =	vadd.f32 v59, v32;
	v1 =	vand.u32 $0x7FFFFFFF, v23  }
0xbb: {  	v3 =	vsub.f32 v54, v3;
	v60 =	vsub.f32 v22, v58  }
0xbc: {  	v19 =	vsub.f32 v56, v44;
	v22 =	vld [tilespmem:s22+$0x40];
	v56 =	vadd.f32 v12, v12  }
0xbd: {  	v58 =	vand.u32 $0x7FFFFFFF, v3;
	v5 =	vadd.f32 v60, v50;
	v32 =	vld [tilespmem:s22+$0x70];
	v37 =	vsub.f32 v37, v0  }
0xbe: {  	v0 =	vadd.f32 v10, v59;
	v7 =	vadd.f32 v19, v36;
	v36 =	vld [tilespmem:s23+$0xE0]  }
0xbf: {  	v23 =	vsub.f32 v9, v55;
	v9 =	vld [tilespmem:s22+$0xE0];
	v3 =	vadd.f32 v37, v19  }
0xc0: {  	v55 =	vadd.f32 v6, v2;
	v7 =	vsub.f32 v8, v7;
	v50 =	vld [tilespmem:s23+$0x70]  }
0xc1: {  	v6 =	vsub.f32 v11, v5;
	v5 =	vadd.f32 v23, v23;
	v11 =	vld [tilespmem:s23+$0x40]  }
.Ltmp0:
0xc2: {  	v54 =	vadd.f32 v60, v60;
	v2 =	vadd.f32 v57, v57;
	v7 =	vand.u32 $0x7FFFFFFF, v7;
	(pc) =	sbr.rel @p1 .LBB2_3-.Ltmp0, $4  }
0xc3: {  	v13 =	vand.u32 $0x7FFFFFFF, v6;
	v61 =	vadd.f32 v7, v61;
	v7 =	vadd.f32 v12, v47  }
0xc4: {  	v8 =	vadd.f32 v19, v19;
	v44 =	vsub.f32 v36, v9  }
0xc5: {  	v32 =	vsub.f32 v50, v32;
	v50 =	vsub.f32 v54, v62;
	v6 =	vld [tilespmem:s22+$0xD0]  }
0xc6: {  	v47 =	vadd.f32 v13, v53;
	v36 =	vsub.f32 v11, v22;
	v53 =	vld [tilespmem:s23+$0xD0]  }
0xc7: {  	v9 =	vadd.f32 v57, v41  }
0xc8: {  	v62 =	vadd.f32 v23, v42;
	v13 =	vadd.f32 v59, v59  }
0xc9: {  	v19 =	vadd.f32 v32, v14;
	v7 =	vsub.f32 v31, v7  }
0xca: {  	v5 =	vsub.f32 v5, v51;
	v1 =	vadd.f32 v1, v26  }
0xcb: {  	v31 =	vsub.f32 v56, v35;
	v24 =	vsub.f32 v24, v52  }
0xcc: {  	v39 =	vadd.f32 v44, v57;
	v2 =	vsub.f32 v2, v34  }
0xcd: {  	v11 =	vand.u32 $0x7FFFFFFF, v50;
	v26 =	vadd.f32 v58, v55;
	v59 =	vadd.f32 v44, v44  }
0xce: {  	v12 =	vadd.f32 v36, v43;
	v11 =	vadd.f32 v11, v47  }
0xcf: {  	v22 =	vadd.f32 v36, v36;
	v9 =	vsub.f32 v29, v9  }
0xd0: {  	v13 =	vsub.f32 v13, v19;
	v29 =	vadd.f32 v32, v32  }
0xd1: {  	v7 =	vand.u32 $0x7FFFFFFF, v7;
	v25 =	vsub.f32 v25, v39;
	v8 =	vsub.f32 v8, v12  }
0xd2: {  	v55 =	vld [tilespmem:$0x1FFA0];
	v24 =	vand.u32 $0x7FFFFFFF, v24;
	v12 =	vsub.f32 v63, v62;
	v3 =	vsub.f32 v22, v3  }
0xd3: {  	v7 =	vadd.f32 v7, v45;
	v24 =	vadd.f32 v24, v40  }
0xd4: {  	v47 =	vand.u32 $0x7FFFFFFF, v49;
	v63 =	vadd.f32 v10, v10;
	v6 =	vsub.f32 v53, v6  }
0xd5: {  	v49 =	vld [tilespmem:$0x1FFB0];
	v0 =	vsub.f32 v29, v0;
	v9 =	vand.u32 $0x7FFFFFFF, v9;
	v53 =	vadd.f32 v37, v16  }
0xd6: {  	v41 =	vand.u32 $0x7FFFFFFF, v31;
	v29 =	vadd.f32 v18, v18;
	v9 =	vadd.f32 v9, v38  }
0xd7: {  	v7 =	vadd.f32 v41, v7;
	v56 =	vadd.f32 v46, v55  }
0xd8: {  	v31 =	vld [tilespmem:$0x1FFC0];
	v8 =	vand.u32 $0x7FFFFFFF, v8;
	v58 =	vadd.f32 v55, v55;
	v38 =	vadd.f32 v30, v30  }
0xd9: {  	v39 =	vld [tilespmem:$0x1FF80];
	v40 =	vand.u32 $0x7FFFFFFF, v12;
	v8 =	vadd.f32 v8, v61;
	v35 =	vadd.f32 v6, v60  }
0xda: {  	v1 =	vadd.f32 v40, v1;
	v50 =	vadd.f32 v36, v49  }
0xdb: {  	v2 =	vand.u32 $0x7FFFFFFF, v2;
	v52 =	vadd.f32 v49, v49;
	v54 =	vadd.f32 v6, v6  }
0xdc: {  	v6 =	vadd.f32 v6, v15;
	v2 =	vadd.f32 v2, v9  }
0xdd: {  	v7 =	vadd.f32 v47, v7;
	v36 =	vadd.f32 v31, v31  }
0xde: {  	v5 =	vand.u32 $0x7FFFFFFF, v5;
	v16 =	vld [tilespmem:$0x1FF90];
	v40 =	vadd.f32 v23, v39;
	v47 =	vadd.f32 v33, v33  }
0xdf: {  	v3 =	vand.u32 $0x7FFFFFFF, v3;
	v22 =	vsub.f32 v48, v35;
	v48 =	vadd.f32 v37, v37  }
0xe0: {  	v1 =	vadd.f32 v5, v1;
	v3 =	vadd.f32 v3, v8  }
0xe1: {  	v55 =	vld [tilespmem:$0x1FF30];
	v8 =	vsub.f32 v52, v53;
	v57 =	vsub.f32 v54, v56  }
0xe2: {  	v45 =	vand.u32 $0x7FFFFFFF, v25;
	v60 =	vld [tilespmem:$0x1FFD0];
	v6 =	vsub.f32 v58, v6;
	v54 =	vadd.f32 v4, v4  }
0xe3: {  	v2 =	vadd.f32 v45, v2;
	v19 =	vadd.f32 v32, v16  }
0xe4: {  	v32 =	vadd.f32 v27, v31;
	v35 =	vadd.f32 v16, v16  }
0xe5: {  	v45 =	vadd.f32 v39, v39;
	v42 =	vand.u32 $0x7FFFFFFF, v22;
	v51 =	vsub.f32 v48, v50  }
0xe6: {  	v43 =	vand.u32 $0x7FFFFFFF, v13;
	v56 =	vadd.f32 v20, v55;
	v9 =	vadd.f32 v42, v11  }
0xe7: {  	v11 =	vadd.f32 v43, v24;
	v61 =	vadd.f32 v21, v60  }
0xe8: {  	v0 =	vand.u32 $0x7FFFFFFF, v0;
	v48 =	vld [tilespmem:$0x1FF70];
	v22 =	vadd.f32 v60, v60;
	v24 =	vsub.f32 v63, v19  }
0xe9: {  	v21 =	vld [tilespmem:$0x1FF50];
	v42 =	vsub.f32 v38, v40;
	v5 =	vand.u32 $0x7FFFFFFF, v51;
	v0 =	vadd.f32 v0, v11  }
0xea: {  	v3 =	vadd.f32 v3, v5;
	v5 =	vand.u32 $0x7FFFFFFF, v57;
	v62 =	vsub.f32 v59, v61  }
0xeb: {  	v34 =	vld [tilespmem:$0x1FFF0];
	v8 =	vand.u32 $0x7FFFFFFF, v8;
	v59 =	vadd.f32 v55, v55;
	v5 =	vadd.f32 v9, v5  }
0xec: {  	v9 =	vsub.f32 v29, v32;
	v3 =	vadd.f32 v3, v8  }
0xed: {  	v37 =	vld [tilespmem:$0x1FF40];
	v6 =	vand.u32 $0x7FFFFFFF, v6;
	v49 =	vadd.f32 v28, v48;
	v52 =	vadd.f32 v48, v48  }
0xee: {  	v8 =	vand.u32 $0x7FFFFFFF, v62;
	v12 =	vadd.f32 v44, v21;
	v5 =	vadd.f32 v5, v6  }
0xef: {  	v2 =	vadd.f32 v2, v8;
	v6 =	vand.u32 $0x7FFFFFFF, v24;
	v9 =	vand.u32 $0x7FFFFFFF, v9  }
0xf0: {  	v44 =	vand.u32 $0x7FFFFFFF, v42;
	v0 =	vadd.f32 v0, v6;
	v6 =	vadd.f32 v10, v34  }
0xf1: {  	v46 =	vld [tilespmem:$0x1FFE0];
	v7 =	vadd.f32 v7, v9;
	v1 =	vadd.f32 v1, v44  }
0xf2: {  	v25 =	vsub.f32 v22, v12;
	v12 =	vadd.f32 v18, v37  }
0xf3: {  	v51 =	vld [tilespmem:$0x1FF60];
	v50 =	vsub.f32 v47, v49;
	v6 =	vsub.f32 v35, v6  }
0xf4: {  	v3 =	vadd.f32 v5, v3;
	v41 =	vsub.f32 v36, v12;
	v8 =	vand.u32 $0x7FFFFFFF, v25  }
0xf5: {  	v57 =	vld [tilespmem:$0x1FF20];
	v5 =	vsub.f32 v54, v56;
	v2 =	vadd.f32 v2, v8;
	v6 =	vand.u32 $0x7FFFFFFF, v6  }
0xf6: {  	v8 =	vadd.f32 v30, v46;
	v0 =	vadd.f32 v0, v6;
	v43 =	vand.u32 $0x7FFFFFFF, v41  }
0xf7: {  	v6 =	vadd.f32 v7, v43;
	v2 =	vadd.f32 v2, v3  }
0xf8: {  	v53 =	vand.u32 $0x7FFFFFFF, v50;
	v7 =	vsub.f32 v45, v8;
	v8 =	vadd.f32 v33, v51  }
0xf9: {  	v3 =	vadd.f32 v26, v53;
	v0 =	vadd.f32 v0, v2  }
0xfa: {  	v8 =	vsub.f32 v52, v8;
	v2 =	vadd.f32 v4, v57;
	v58 =	vand.u32 $0x7FFFFFFF, v7  }
0xfb: {  	v61 =	vand.u32 $0x7FFFFFFF, v5;
	v1 =	vadd.f32 v1, v58;
	v0 =	vadd.f32 v6, v0  }
0xfc: {  	v4 =	vadd.f32 v17, v61;
	v60 =	vand.u32 $0x7FFFFFFF, v8;
	v2 =	vsub.f32 v59, v2  }
0xfd: {  	v3 =	vadd.f32 v3, v60;
	v0 =	vadd.f32 v1, v0  }
0xfe: {  	v63 =	vld [tilespmem:$0x0];
	v62 =	vand.u32 $0x7FFFFFFF, v2  }
0xff: {  	p1 =	sne.s32 s20, s19;
	v1 =	vadd.f32 v4, v62;
	v0 =	vadd.f32 v3, v0  }
0x100: {  	s20 =	simm.s32 $0x1;
	s18 =	sadd.s32 $0x1, s18;
	p0 =	por p0, p1  }
0x101: {  	s20 =	simm.s32 @!p0 $0x0;
	p0 =	sne.s32 s18, $0xE;
	v0 =	vadd.f32 v1, v0  }
.Ltmp1:
0x102: {  	_ = 	snop;
	(pc) =	sbr.rel @p0 .LBB2_2-.Ltmp1, $3  }
0x103: {  	v0 =	vadd.f32 v63, v0;
	_ =	sdelay $0x1  }
0x104: {  	s15 =	sadd.s32 s15, s21;
	s16 =	sadd.s32 s20, s16;
	[tilespmem:$0x0] =	vst v0  }
0x105: {  	s14 =	sadd.s32 s20, s14;
	s20 =	smov.u32 s19;
	_ =	strace $0x9000004D  }
0x106: {  	s13 =	sadd.s32 $0x1, s13  }
0x107: {  	p0 =	sne.s32 s13, s9  }
.Ltmp2:
0x108: {  	_ = 	snop;
	(pc) =	sbr.rel @p0 .LBB2_1-.Ltmp2, $4  }
0x109: {  	[hbm4b:s8+s4] =	stream.linear.scatter [tilespmem:s4], [sflag:$0x1], $0x80, $0x38;
	[tilespmem:$0x10080] =	vst v63  }
0x10a: {  	_ =	swait.ge [sflag:s12], $0x80  }
0x10b: {  	[sflag:s12] =	ssyncset.done $0x0  }
0x10c: {  	[sflag:s12] =	ssyncadd.s32 $0xFFFFFF80  }
0x10d: {  	_ =	sfence.sel $0x180000  }
0x10e: {  	[bflag:$0x0] =	sbarrier.arrive $0xFFFF  }
0x10f: {  	p0 =	sne.s32 s2, $0x0;
	_ =	strace $0x90000047  }
0x110: {  	s0 =	sadd.s32 @!p0 $0x100000, s1;
	[bflag:$0x2] =	sbarrier.arrive $0xFFFF  }
0x111: {  	[sflag:s0] =	ssyncadd.tile.s32 @!p0 $0x1;
	_ =	shalt  }
.Lfunc_end2:
_tile_overlayer_lowered:
.L_overlay_start_2:
0x112: {  	(tag) =	ssettag $0x2  }
0x113: {  	s0 =	rddreg [dreg:$0x0];
	s2 =	stileid.u32  }
0x114: {  	s1 =	rddreg [dreg:$0x1];
	p0 =	sne.s32 s2, $0x0  }
0x115: {  	s3 =	rddreg [dreg:$0x2];
	[bflag:$0x3] =	sbarrier.arrive $0xFFFF;
	s2 =	simm.s32 @!p0 $0x1C01  }
0x116: {  	[timem:s3], [sflag:s2] =	dma.local @!p0 [hbm:s0], s1  }
0x117: {  	s0 =	simm.s32 @!p0 $0x1  }
0x118: {  	_ =	swait.ge @!p0 [sflag:s0], s1  }
0x119: {  	s1 =	ssub.s32 @!p0 $0x0, s1;
	[sflag:s0] =	ssyncset.done @!p0 $0x0  }
0x11a: {  	[sflag:s0] =	ssyncadd.s32 @!p0 s1  }
0x11b: {  	[bflag:$0x3] =	sbarrier.arrive $0xFFFF  }
0x11c: {  	_ =	shalt  }

</sc_bundles>
